<compile_context>
chip_gen: v7x
topology: tpu7x:2x2x1
jax: 0.10.2.dev20260603
libtpu: 0.0.44.dev20260713+nightly
codegen_flags: <defaults>
</compile_context>

<pallas_src>
import functools

import jax
import jax.numpy as jnp
from jax import lax
from jax.experimental import pallas as pl
from jax.experimental.pallas import tpu as pltpu
from jax.experimental.pallas import tpu_sc as plsc

N = 10000
E = 320000
IN_DIM = 128
PE_DIM = 64
HID = 128
LAT = 64
K = 5000

NPAD = 10240
NBLK = NPAD // 128
DUMP = 64
OUT_ROWS = K + DUMP
BW = 256

NC, NS = 2, 16
NW = NC * NS
EPW = E // NW
CE = 80
NCH = EPW // CE
RPW = NPAD // NW
NCHR = RPW // CE

_MESH = plsc.VectorSubcoreMesh(core_axis_name="c", subcore_axis_name="s",
                               num_cores=NC, num_subcores=NS)
_HIGH = lax.Precision.HIGHEST


@functools.partial(
    pl.kernel,
    out_type=jax.ShapeDtypeStruct((NC, N), jnp.float32),
    mesh=_MESH,
    scratch_types=[
        pltpu.VMEM((NCH, CE), jnp.int32),
        pltpu.VMEM((CE,), jnp.float32),
        pltpu.VMEM_SHARED((N,), jnp.float32),
    ],
)
def _sc_deg(dst3d, zeros_n, out, didx, ones_v, acc):
    cid = lax.axis_index("c")
    sid = lax.axis_index("s")
    wid = cid * NS + sid
    for t in range(CE // 16):
        ones_v[pl.ds(t * 16, 16)] = jnp.ones((16,), jnp.float32)

    @pl.when(sid == 0)
    def _():
        pltpu.sync_copy(zeros_n, acc)

    plsc.subcore_barrier()
    pltpu.sync_copy(dst3d.at[wid], didx)

    def body(j, carry):
        pltpu.sync_copy(ones_v, acc.at[didx.at[j]], add=True)
        return carry

    lax.fori_loop(0, NCH, body, 0)
    plsc.subcore_barrier()

    @pl.when(sid == 0)
    def _():
        pltpu.sync_copy(acc, out.at[cid])


@functools.partial(
    pl.kernel,
    out_type=jax.ShapeDtypeStruct((NC, N, HID), jnp.float32),
    mesh=_MESH,
    scratch_types=[
        pltpu.VMEM((NCH, CE), jnp.int32),
        pltpu.VMEM((NCH, CE), jnp.int32),
        pltpu.VMEM((CE, HID), jnp.float32),
        pltpu.SemaphoreType.DMA,
        pltpu.VMEM_SHARED((N, HID), jnp.float32),
    ],
)
def _sc_edge(u, src3d, dst3d, zeros_nh, out, sidx, didx, rows, sem, acc):
    cid = lax.axis_index("c")
    sid = lax.axis_index("s")
    wid = cid * NS + sid

    @pl.when(sid == 0)
    def _():
        pltpu.sync_copy(zeros_nh, acc)

    plsc.subcore_barrier()
    pltpu.sync_copy(src3d.at[wid], sidx)
    pltpu.sync_copy(dst3d.at[wid], didx)

    def body(j, carry):
        pltpu.async_copy(u.at[sidx.at[j]], rows, sem).wait()
        pltpu.sync_copy(rows, acc.at[didx.at[j]], add=True)
        return carry

    lax.fori_loop(0, NCH, body, 0)
    plsc.subcore_barrier()

    @pl.when(sid == 0)
    def _():
        pltpu.sync_copy(acc, out.at[cid])


@functools.partial(
    pl.kernel,
    out_type=jax.ShapeDtypeStruct((OUT_ROWS, BW), jnp.float32),
    mesh=_MESH,
    scratch_types=[
        pltpu.VMEM((NCHR, CE), jnp.int32),
        pltpu.VMEM((CE, BW), jnp.float32),
    ],
)
def _sc_scatter_rows(big, rk3d, obig, ridx, rows):
    cid = lax.axis_index("c")
    sid = lax.axis_index("s")
    wid = cid * NS + sid
    pltpu.sync_copy(rk3d.at[wid], ridx)

    def body(j, carry):
        base = wid * RPW + j * CE
        pltpu.sync_copy(big.at[pl.ds(base, CE)], rows)
        pltpu.sync_copy(rows, obig.at[ridx.at[j]])
        return carry

    lax.fori_loop(0, NCHR, body, 0)


R1 = 1000
R3 = 1024


def _mm1_body(x_ref, pe_ref, w1a_ref, w1b_ref, degp_ref, u1_ref, dinv_ref):
    deg = degp_ref[:, 0:1] + degp_ref[:, 1:2] + 1.0
    dinv = 1.0 / jnp.sqrt(deg)
    xw = (jnp.dot(x_ref[...], w1a_ref[...], precision=_HIGH,
                  preferred_element_type=jnp.float32)
          + jnp.dot(pe_ref[...], w1b_ref[...], precision=_HIGH,
                    preferred_element_type=jnp.float32))
    u1_ref[...] = xw * dinv
    dinv_ref[...] = dinv


def _tc_mm1(x, pe, w1a, w1b, degp_t):
    return pl.pallas_call(
        _mm1_body,
        grid=(N // R1,),
        in_specs=[
            pl.BlockSpec((R1, IN_DIM), lambda i: (i, 0)),
            pl.BlockSpec((R1, PE_DIM), lambda i: (i, 0)),
            pl.BlockSpec((IN_DIM, HID), lambda i: (0, 0)),
            pl.BlockSpec((PE_DIM, HID), lambda i: (0, 0)),
            pl.BlockSpec((R1, NC), lambda i: (i, 0)),
        ],
        out_specs=[
            pl.BlockSpec((R1, HID), lambda i: (i, 0)),
            pl.BlockSpec((R1, 1), lambda i: (i, 0)),
        ],
        out_shape=[
            jax.ShapeDtypeStruct((N, HID), jnp.float32),
            jax.ShapeDtypeStruct((N, 1), jnp.float32),
        ],
    )(x, pe, w1a, w1b, degp_t)


def _mm2_body(accp_ref, u1_ref, dinv_ref, b1_ref, wml_ref, u2_ref):
    dinv = dinv_ref[...]
    acc = accp_ref[0] + accp_ref[1] + u1_ref[...]
    h = jnp.maximum(acc * dinv + b1_ref[...], 0.0)
    u2_ref[...] = jnp.dot(h, wml_ref[...], precision=_HIGH,
                          preferred_element_type=jnp.float32) * dinv


def _tc_mm2(accp, u1, dinv, b1row, wml):
    return pl.pallas_call(
        _mm2_body,
        grid=(N // R1,),
        in_specs=[
            pl.BlockSpec((NC, R1, HID), lambda i: (0, i, 0)),
            pl.BlockSpec((R1, HID), lambda i: (i, 0)),
            pl.BlockSpec((R1, 1), lambda i: (i, 0)),
            pl.BlockSpec((1, HID), lambda i: (0, 0)),
            pl.BlockSpec((HID, HID), lambda i: (0, 0)),
        ],
        out_specs=pl.BlockSpec((R1, HID), lambda i: (i, 0)),
        out_shape=jax.ShapeDtypeStruct((N, HID), jnp.float32),
    )(accp, u1, dinv, b1row, wml)


def _mm3_body(accp_ref, u2_ref, dinv_ref, bml_ref, eps_ref, pw_ref,
              big_ref, score_ref):
    dinv = dinv_ref[...]
    acc = accp_ref[0] + accp_ref[1] + u2_ref[...]
    g = acc * dinv + bml_ref[...]
    mu = g[:, :LAT]
    lv = g[:, LAT:]
    z = mu + eps_ref[...] * jnp.exp(0.5 * lv)
    pw = pw_ref[...]
    pwn = pw / (jnp.sqrt(jnp.sum(pw * pw)) + 1e-16)
    score = jnp.dot(z, pwn, precision=_HIGH,
                    preferred_element_type=jnp.float32)
    row = (pl.program_id(0) * R3
           + lax.broadcasted_iota(jnp.int32, (R3, 1), 0))
    score = jnp.where(row < N, score, -jnp.inf)
    big_ref[...] = jnp.concatenate(
        [z * jnp.tanh(score), mu, lv, jnp.zeros((R3, BW - 3 * LAT),
                                                jnp.float32)], axis=1)
    score_ref[...] = score


def _tc_mm3(accp, u2, dinv, bmlrow, eps, pwcol):
    return pl.pallas_call(
        _mm3_body,
        grid=(NPAD // R3,),
        in_specs=[
            pl.BlockSpec((NC, R3, HID), lambda i: (0, i, 0)),
            pl.BlockSpec((R3, HID), lambda i: (i, 0)),
            pl.BlockSpec((R3, 1), lambda i: (i, 0)),
            pl.BlockSpec((1, HID), lambda i: (0, 0)),
            pl.BlockSpec((R3, LAT), lambda i: (i, 0)),
            pl.BlockSpec((LAT, 1), lambda i: (0, 0)),
        ],
        out_specs=[
            pl.BlockSpec((R3, BW), lambda i: (i, 0)),
            pl.BlockSpec((R3, 1), lambda i: (i, 0)),
        ],
        out_shape=[
            jax.ShapeDtypeStruct((NPAD, BW), jnp.float32),
            jax.ShapeDtypeStruct((NPAD, 1), jnp.float32),
        ],
    )(accp, u2, dinv, bmlrow, eps, pwcol)


def _tr_body(sc_ref, sr_ref):
    m = jnp.broadcast_to(sc_ref[...], (128, 128))
    sr_ref[...] = m.T[0:1, :].reshape(1, 1, 128)


def _tc_transpose(score_col):
    return pl.pallas_call(
        _tr_body,
        grid=(NBLK,),
        in_specs=[pl.BlockSpec((128, 1), lambda i: (i, 0))],
        out_specs=pl.BlockSpec((1, 1, 128), lambda i: (i, 0, 0)),
        out_shape=jax.ShapeDtypeStruct((NBLK, 1, 128), jnp.float32),
    )(score_col)


def _rank_body(sc_ref, sr_ref, out_ref):
    r = pl.program_id(0)
    si = jnp.broadcast_to(sc_ref[...], (128, 128))
    lane = lax.broadcasted_iota(jnp.int32, (128, 128), 1)
    sub = lax.broadcasted_iota(jnp.int32, (128, 128), 0)
    blt = lane < sub

    def body(jc, acc):
        sj = jnp.broadcast_to(sr_ref[pl.ds(jc, 1), 0, :], (128, 128))
        gt = sj > si
        tie = (sj == si) & ((jc < r) | ((jc == r) & blt))
        return acc + (gt | tie).astype(jnp.int32)

    acc = lax.fori_loop(0, NBLK, body, jnp.zeros((128, 128), jnp.int32))
    rank = jnp.sum(acc, axis=1, keepdims=True)
    row = r * 128 + lax.broadcasted_iota(jnp.int32, (128, 1), 0)
    out_ref[...] = jnp.where(rank < K, rank, K + (row & (DUMP - 1)))


def _tc_rank(score_col, score_row):
    return pl.pallas_call(
        _rank_body,
        grid=(NBLK,),
        in_specs=[
            pl.BlockSpec((128, 1), lambda i: (i, 0)),
            pl.BlockSpec((NBLK, 1, 128), lambda i: (0, 0, 0)),
        ],
        out_specs=pl.BlockSpec((128, 1), lambda i: (i, 0)),
        out_shape=jax.ShapeDtypeStruct((NPAD, 1), jnp.int32),
    )(score_col, score_row)


def kernel(x_raw, pe_nodefeat, edge_index, batch_vec, W1, b1, Wmu, bmu, Wlv,
           blv, pool_w, eps):
    del batch_vec
    src3d = edge_index[0].reshape(NW, NCH, CE)
    dst3d = edge_index[1].reshape(NW, NCH, CE)
    zeros_n = jnp.zeros((N,), jnp.float32)
    zeros_nh = jnp.zeros((N, HID), jnp.float32)

    degp = _sc_deg(dst3d, zeros_n)
    degp_t = degp.T

    w1a = W1[:IN_DIM]
    w1b = W1[IN_DIM:]
    u1, dinv = _tc_mm1(x_raw, pe_nodefeat, w1a, w1b, degp_t)

    acc1p = _sc_edge(u1, src3d, dst3d, zeros_nh)

    wml = jnp.concatenate([Wmu, Wlv], axis=1)
    b1row = b1.reshape(1, HID)
    u2 = _tc_mm2(acc1p, u1, dinv, b1row, wml)

    acc2p = _sc_edge(u2, src3d, dst3d, zeros_nh)

    bmlrow = jnp.concatenate([bmu, blv]).reshape(1, HID)
    pwcol = pool_w.reshape(LAT, 1)
    big, score = _tc_mm3(acc2p, u2, dinv, bmlrow, eps, pwcol)

    score_row = _tc_transpose(score)
    ranks = _tc_rank(score, score_row)
    rk3d = ranks.reshape(NW, NCHR, CE)

    obig = _sc_scatter_rows(big, rk3d)
    return (obig[:K, :LAT], obig[:K, LAT:2 * LAT],
            obig[:K, 2 * LAT:3 * LAT])

# --- scband reference (transcript-rebuilt; emitter-appended) ---
"""Pipeline reference for scband-graph-gen-model-34213709480160 (READ-ONLY COPY).

The authoritative reference and input builder live on the scoring server;
editing this copy changes nothing except your own understanding.
"""

import jax, jax.numpy as jnp
import numpy as np

N = 10000
E = 320000
IN_DIM = 128
PE_DIM = 64
HID = 128
LAT = 64
RATIO = 0.5
K = int(np.ceil(RATIO * N))


def gcn_conv(x, W, b, src, dst, n):
    # GCNConv with added self-loops and symmetric normalization: D^-1/2 (A+I) D^-1/2 X W + b
    xw = x @ W
    deg = jnp.zeros((n,), jnp.float32).at[dst].add(1.0) + 1.0  # +1 for self loop
    dinv = 1.0 / jnp.sqrt(deg)
    coef = dinv[src] * dinv[dst]
    agg = jnp.zeros_like(xw).at[dst].add(xw[src] * coef[:, None])
    agg = agg + xw * (dinv * dinv)[:, None]  # self-loop contribution
    return agg + b


def setup_inputs(seed: int = 0) -> dict:
    key = jax.random.key(seed)
    ks = jax.random.split(key, 12)
    x_raw = jax.random.normal(ks[0], (N, IN_DIM), dtype=jnp.float32)
    pe_nodefeat = jax.random.normal(ks[1], (N, PE_DIM), dtype=jnp.float32)
    edge_index = jax.random.randint(ks[2], (2, E), 0, N, dtype=jnp.int32)
    batch_vec = jnp.zeros((N,), dtype=jnp.int32)  # single graph
    W1 = jax.random.normal(ks[3], (IN_DIM + PE_DIM, HID), dtype=jnp.float32) * (1.0 / np.sqrt(IN_DIM + PE_DIM))
    b1 = jnp.zeros((HID,), jnp.float32)
    Wmu = jax.random.normal(ks[4], (HID, LAT), dtype=jnp.float32) * (1.0 / np.sqrt(HID))
    bmu = jnp.zeros((LAT,), jnp.float32)
    Wlv = jax.random.normal(ks[5], (HID, LAT), dtype=jnp.float32) * (1.0 / np.sqrt(HID))
    blv = jnp.zeros((LAT,), jnp.float32)
    pool_w = jax.random.normal(ks[6], (LAT,), dtype=jnp.float32)
    eps = jax.random.normal(ks[7], (N, LAT), dtype=jnp.float32)  # reparameterization noise (fixed)
    return {"x_raw": x_raw, "pe_nodefeat": pe_nodefeat, "edge_index": edge_index,
            "batch_vec": batch_vec, "W1": W1, "b1": b1, "Wmu": Wmu, "bmu": bmu,
            "Wlv": Wlv, "blv": blv, "pool_w": pool_w, "eps": eps}


def reference(x_raw, pe_nodefeat, edge_index, batch_vec, W1, b1, Wmu, bmu, Wlv, blv, pool_w, eps):
    src = edge_index[0]
    dst = edge_index[1]
    x_in = jnp.concatenate([x_raw, pe_nodefeat], axis=-1)
    h = jax.nn.relu(gcn_conv(x_in, W1, b1, src, dst, N))
    mu = gcn_conv(h, Wmu, bmu, src, dst, N)
    logvar = gcn_conv(h, Wlv, blv, src, dst, N)
    std = jnp.exp(0.5 * logvar)
    z = mu + eps * std
    # TopKPooling (single graph): score = z.w/||w||, keep top ceil(ratio*N), gate by tanh(score)
    score = z @ pool_w / (jnp.linalg.norm(pool_w) + 1e-16)
    top_scores, perm = jax.lax.top_k(score, K)
    gate = jnp.tanh(top_scores)
    z_pool = z[perm] * gate[:, None]
    mu_pool = mu[perm]
    logvar_pool = logvar[perm]
    return (z_pool, mu_pool, logvar_pool)

if __name__ == "__main__":
    import jax
    _d = setup_inputs()
    print(jax.jit(kernel)(*tuple(_d.values())))

</pallas_src>

<mosaic_0001>
#map = affine_map<(d0, d1) -> (0, 0)>
#map1 = affine_map<(d0, d1) -> (0, 0, 0)>
module attributes {stable_mosaic.version = 14 : i64} {
  func.func @_sc_edge(%arg0: i32, %arg1: i32, %arg2: memref<10000x128xf32, #tpu.memory_space<hbm>>, %arg3: memref<32x125x80xi32, #tpu.memory_space<hbm>>, %arg4: memref<32x125x80xi32, #tpu.memory_space<hbm>>, %arg5: memref<10000x128xf32, #tpu.memory_space<hbm>>, %arg6: memref<2x10000x128xf32, #tpu.memory_space<hbm>>, %arg7: memref<125x80xi32, #tpu.memory_space<vmem>>, %arg8: memref<125x80xi32, #tpu.memory_space<vmem>>, %arg9: memref<80x128xf32, #tpu.memory_space<vmem>>, %arg10: memref<!tpu.dma_semaphore, #tpu.memory_space<semaphore_mem>>, %arg11: memref<10000x128xf32, #tpu.memory_space<vmem_shared>>) attributes {dimension_semantics = [#tpu.dimension_semantics<core_parallel>, #tpu.dimension_semantics<subcore_parallel>], iteration_bounds = array<i64: 2, 16>, scalar_prefetch = 0 : i64, scratch_operands = 5 : i64, tpu.core_type = #tpu.core_type<sc_vector_subcore>, window_params = [{transform_indices = #map}, {transform_indices = #map1}, {transform_indices = #map1}, {transform_indices = #map}, {transform_indices = #map1}]} {
    %mul3A = arith.constant 16 : i32
    %mul3A_0 = arith.muli %arg0, %mul3A : i32
    %add3A = arith.addi %mul3A_0, %arg1 : i32
    %eq3A = arith.constant 0 : i32
    %eq3A_1 = arith.cmpi eq, %arg1, %eq3A : i32
    %convert_element_type3A = arith.extui %eq3A_1 : i1 to i32
    %cond3A = arith.constant 0 : i32
    %cond3A_2 = arith.cmpi ne, %convert_element_type3A, %cond3A : i32
    scf.if %cond3A_2 {
      "tpu.region"() ({
        %run_scoped3A = tpu.sem_alloc : memref<!tpu.dma_semaphore, #tpu.memory_space<semaphore_mem>>
        tpu.enqueue_dma source(%arg5 : memref<10000x128xf32, #tpu.memory_space<hbm>>) target(%arg11 : memref<10000x128xf32, #tpu.memory_space<vmem_shared>>) target_semaphore(%run_scoped3A : memref<!tpu.dma_semaphore, #tpu.memory_space<semaphore_mem>>)
        tpu.wait_dma2 semaphore(%run_scoped3A : memref<!tpu.dma_semaphore, #tpu.memory_space<semaphore_mem>>) src(%arg5 : memref<10000x128xf32, #tpu.memory_space<hbm>>) dst(%arg11 : memref<10000x128xf32, #tpu.memory_space<vmem_shared>>)
        tpu.yield
      }) : () -> ()
    } else {
    }
    %barrier3A = arith.constant 0 : index
    tpu.barrier barrier_id(%barrier3A)
    "tpu.region"() ({
      %run_scoped3A = tpu.sem_alloc : memref<!tpu.dma_semaphore, #tpu.memory_space<semaphore_mem>>
      %dma_start3A = arith.constant 0 : i32
      %dma_start3A_14 = arith.constant 0 : i32
      %dma_start3A_15 = tpu.memref_slice %arg3[%add3A, %dma_start3A, %dma_start3A_14] : memref<32x125x80xi32, #tpu.memory_space<hbm>> -> memref<1x125x80xi32, #tpu.memory_space<hbm>>
      %dma_start3A_16 = tpu.memref_squeeze %dma_start3A_15 : memref<1x125x80xi32, #tpu.memory_space<hbm>> -> memref<125x80xi32, #tpu.memory_space<hbm>>
      %dma_start3A_17 = arith.constant 0 : i32
      %dma_start3A_18 = arith.constant 0 : i32
      %dma_start3A_19 = tpu.memref_slice %arg3[%add3A, %dma_start3A_17, %dma_start3A_18] : memref<32x125x80xi32, #tpu.memory_space<hbm>> -> memref<1x125x80xi32, #tpu.memory_space<hbm>>
      %dma_start3A_20 = tpu.memref_squeeze %dma_start3A_19 : memref<1x125x80xi32, #tpu.memory_space<hbm>> -> memref<125x80xi32, #tpu.memory_space<hbm>>
      tpu.enqueue_dma source(%dma_start3A_20 : memref<125x80xi32, #tpu.memory_space<hbm>>) target(%arg7 : memref<125x80xi32, #tpu.memory_space<vmem>>) target_semaphore(%run_scoped3A : memref<!tpu.dma_semaphore, #tpu.memory_space<semaphore_mem>>)
      %dma_wait3A = arith.constant 0 : i32
      %dma_wait3A_21 = arith.constant 0 : i32
      %dma_wait3A_22 = tpu.memref_slice %arg3[%add3A, %dma_wait3A, %dma_wait3A_21] : memref<32x125x80xi32, #tpu.memory_space<hbm>> -> memref<1x125x80xi32, #tpu.memory_space<hbm>>
      %dma_wait3A_23 = tpu.memref_squeeze %dma_wait3A_22 : memref<1x125x80xi32, #tpu.memory_space<hbm>> -> memref<125x80xi32, #tpu.memory_space<hbm>>
      %dma_wait3A_24 = arith.constant 0 : i32
      %dma_wait3A_25 = arith.constant 0 : i32
      %dma_wait3A_26 = tpu.memref_slice %arg3[%add3A, %dma_wait3A_24, %dma_wait3A_25] : memref<32x125x80xi32, #tpu.memory_space<hbm>> -> memref<1x125x80xi32, #tpu.memory_space<hbm>>
      %dma_wait3A_27 = tpu.memref_squeeze %dma_wait3A_26 : memref<1x125x80xi32, #tpu.memory_space<hbm>> -> memref<125x80xi32, #tpu.memory_space<hbm>>
      tpu.wait_dma2 semaphore(%run_scoped3A : memref<!tpu.dma_semaphore, #tpu.memory_space<semaphore_mem>>) src(%dma_wait3A_27 : memref<125x80xi32, #tpu.memory_space<hbm>>) dst(%arg7 : memref<125x80xi32, #tpu.memory_space<vmem>>)
      tpu.yield
    }) : () -> ()
    "tpu.region"() ({
      %run_scoped3A = tpu.sem_alloc : memref<!tpu.dma_semaphore, #tpu.memory_space<semaphore_mem>>
      %dma_start3A = arith.constant 0 : i32
      %dma_start3A_14 = arith.constant 0 : i32
      %dma_start3A_15 = tpu.memref_slice %arg4[%add3A, %dma_start3A, %dma_start3A_14] : memref<32x125x80xi32, #tpu.memory_space<hbm>> -> memref<1x125x80xi32, #tpu.memory_space<hbm>>
      %dma_start3A_16 = tpu.memref_squeeze %dma_start3A_15 : memref<1x125x80xi32, #tpu.memory_space<hbm>> -> memref<125x80xi32, #tpu.memory_space<hbm>>
      %dma_start3A_17 = arith.constant 0 : i32
      %dma_start3A_18 = arith.constant 0 : i32
      %dma_start3A_19 = tpu.memref_slice %arg4[%add3A, %dma_start3A_17, %dma_start3A_18] : memref<32x125x80xi32, #tpu.memory_space<hbm>> -> memref<1x125x80xi32, #tpu.memory_space<hbm>>
      %dma_start3A_20 = tpu.memref_squeeze %dma_start3A_19 : memref<1x125x80xi32, #tpu.memory_space<hbm>> -> memref<125x80xi32, #tpu.memory_space<hbm>>
      tpu.enqueue_dma source(%dma_start3A_20 : memref<125x80xi32, #tpu.memory_space<hbm>>) target(%arg8 : memref<125x80xi32, #tpu.memory_space<vmem>>) target_semaphore(%run_scoped3A : memref<!tpu.dma_semaphore, #tpu.memory_space<semaphore_mem>>)
      %dma_wait3A = arith.constant 0 : i32
      %dma_wait3A_21 = arith.constant 0 : i32
      %dma_wait3A_22 = tpu.memref_slice %arg4[%add3A, %dma_wait3A, %dma_wait3A_21] : memref<32x125x80xi32, #tpu.memory_space<hbm>> -> memref<1x125x80xi32, #tpu.memory_space<hbm>>
      %dma_wait3A_23 = tpu.memref_squeeze %dma_wait3A_22 : memref<1x125x80xi32, #tpu.memory_space<hbm>> -> memref<125x80xi32, #tpu.memory_space<hbm>>
      %dma_wait3A_24 = arith.constant 0 : i32
      %dma_wait3A_25 = arith.constant 0 : i32
      %dma_wait3A_26 = tpu.memref_slice %arg4[%add3A, %dma_wait3A_24, %dma_wait3A_25] : memref<32x125x80xi32, #tpu.memory_space<hbm>> -> memref<1x125x80xi32, #tpu.memory_space<hbm>>
      %dma_wait3A_27 = tpu.memref_squeeze %dma_wait3A_26 : memref<1x125x80xi32, #tpu.memory_space<hbm>> -> memref<125x80xi32, #tpu.memory_space<hbm>>
      tpu.wait_dma2 semaphore(%run_scoped3A : memref<!tpu.dma_semaphore, #tpu.memory_space<semaphore_mem>>) src(%dma_wait3A_27 : memref<125x80xi32, #tpu.memory_space<hbm>>) dst(%arg8 : memref<125x80xi32, #tpu.memory_space<vmem>>)
      tpu.yield
    }) : () -> ()
    %scan3A = arith.constant 0 : i32
    %scan3A_3 = arith.constant 0 : i32
    %scan3A_4 = arith.constant 125 : i32
    %scan3A_5 = arith.addi %scan3A_3, %scan3A_4 : i32
    %scan3A_6 = arith.constant 1 : i32
    scf.for %scan3A_14 = %scan3A_3 to %scan3A_5 step %scan3A_6  : i32 {
      %dma_start3A = arith.constant 0 : i32
      %dma_start3A_15 = tpu.memref_slice %arg7[%scan3A_14, %dma_start3A] : memref<125x80xi32, #tpu.memory_space<vmem>> -> memref<1x80xi32, #tpu.memory_space<vmem>>
      %dma_start3A_16 = tpu.memref_squeeze %dma_start3A_15 : memref<1x80xi32, #tpu.memory_space<vmem>> -> memref<80xi32, #tpu.memory_space<vmem>>
      %dma_start3A_17 = arith.constant 0 : i32
      %dma_start3A_18 = arith.constant 0 : i32
      %dma_start3A_19 = tpu.memref_slice %arg2[%dma_start3A_17, %dma_start3A_18] : memref<10000x128xf32, #tpu.memory_space<hbm>> -> memref<10000x128xf32, #tpu.memory_space<hbm>>
      tpu.enqueue_indirect_dma source(%dma_start3A_19 : memref<10000x128xf32, #tpu.memory_space<hbm>>) target(%arg9 : memref<80x128xf32, #tpu.memory_space<vmem>>) offsets(%dma_start3A_16 : memref<80xi32, #tpu.memory_space<vmem>>) semaphore(%arg10 : memref<!tpu.dma_semaphore, #tpu.memory_space<semaphore_mem>>)
      %dma_wait3A = arith.constant 0 : i32
      %dma_wait3A_20 = tpu.memref_slice %arg7[%scan3A_14, %dma_wait3A] : memref<125x80xi32, #tpu.memory_space<vmem>> -> memref<1x80xi32, #tpu.memory_space<vmem>>
      %dma_wait3A_21 = tpu.memref_squeeze %dma_wait3A_20 : memref<1x80xi32, #tpu.memory_space<vmem>> -> memref<80xi32, #tpu.memory_space<vmem>>
      %dma_wait3A_22 = arith.constant 0 : i32
      %dma_wait3A_23 = arith.constant 0 : i32
      %dma_wait3A_24 = tpu.memref_slice %arg2[%dma_wait3A_22, %dma_wait3A_23] : memref<10000x128xf32, #tpu.memory_space<hbm>> -> memref<10000x128xf32, #tpu.memory_space<hbm>>
      tpu.wait_indirect_dma semaphore(%arg10 : memref<!tpu.dma_semaphore, #tpu.memory_space<semaphore_mem>>) src(%dma_wait3A_24 : memref<10000x128xf32, #tpu.memory_space<hbm>>) dst(%arg9 : memref<80x128xf32, #tpu.memory_space<vmem>>)
      "tpu.region"() ({
        %run_scoped3A = tpu.sem_alloc : memref<!tpu.dma_semaphore, #tpu.memory_space<semaphore_mem>>
        %dma_start3A_25 = arith.constant 0 : i32
        %dma_start3A_26 = tpu.memref_slice %arg8[%scan3A_14, %dma_start3A_25] : memref<125x80xi32, #tpu.memory_space<vmem>> -> memref<1x80xi32, #tpu.memory_space<vmem>>
        %dma_start3A_27 = tpu.memref_squeeze %dma_start3A_26 : memref<1x80xi32, #tpu.memory_space<vmem>> -> memref<80xi32, #tpu.memory_space<vmem>>
        %dma_start3A_28 = arith.constant 0 : i32
        %dma_start3A_29 = arith.constant 0 : i32
        %dma_start3A_30 = tpu.memref_slice %arg11[%dma_start3A_28, %dma_start3A_29] : memref<10000x128xf32, #tpu.memory_space<vmem_shared>> -> memref<10000x128xf32, #tpu.memory_space<vmem_shared>>
        tpu.enqueue_indirect_dma source(%arg9 : memref<80x128xf32, #tpu.memory_space<vmem>>) target(%dma_start3A_30 : memref<10000x128xf32, #tpu.memory_space<vmem_shared>>) offsets(%dma_start3A_27 : memref<80xi32, #tpu.memory_space<vmem>>) semaphore(%run_scoped3A : memref<!tpu.dma_semaphore, #tpu.memory_space<semaphore_mem>>) {add = true}
        %dma_wait3A_31 = arith.constant 0 : i32
        %dma_wait3A_32 = tpu.memref_slice %arg8[%scan3A_14, %dma_wait3A_31] : memref<125x80xi32, #tpu.memory_space<vmem>> -> memref<1x80xi32, #tpu.memory_space<vmem>>
        %dma_wait3A_33 = tpu.memref_squeeze %dma_wait3A_32 : memref<1x80xi32, #tpu.memory_space<vmem>> -> memref<80xi32, #tpu.memory_space<vmem>>
        %dma_wait3A_34 = arith.constant 0 : i32
        %dma_wait3A_35 = arith.constant 0 : i32
        %dma_wait3A_36 = tpu.memref_slice %arg11[%dma_wait3A_34, %dma_wait3A_35] : memref<10000x128xf32, #tpu.memory_space<vmem_shared>> -> memref<10000x128xf32, #tpu.memory_space<vmem_shared>>
        tpu.wait_indirect_dma semaphore(%run_scoped3A : memref<!tpu.dma_semaphore, #tpu.memory_space<semaphore_mem>>) src(%arg9 : memref<80x128xf32, #tpu.memory_space<vmem>>) dst(%dma_wait3A_36 : memref<10000x128xf32, #tpu.memory_space<vmem_shared>>)
        tpu.yield
      }) : () -> ()
    }
    %scan3A_7 = arith.constant 125 : i32
    %barrier3A_8 = arith.constant 0 : index
    tpu.barrier barrier_id(%barrier3A_8)
    %eq3A_9 = arith.constant 0 : i32
    %eq3A_10 = arith.cmpi eq, %arg1, %eq3A_9 : i32
    %convert_element_type3A_11 = arith.extui %eq3A_10 : i1 to i32
    %cond3A_12 = arith.constant 0 : i32
    %cond3A_13 = arith.cmpi ne, %convert_element_type3A_11, %cond3A_12 : i32
    scf.if %cond3A_13 {
      "tpu.region"() ({
        %run_scoped3A = tpu.sem_alloc : memref<!tpu.dma_semaphore, #tpu.memory_space<semaphore_mem>>
        %dma_start3A = arith.constant 0 : i32
        %dma_start3A_14 = arith.constant 0 : i32
        %dma_start3A_15 = tpu.memref_slice %arg6[%arg0, %dma_start3A, %dma_start3A_14] : memref<2x10000x128xf32, #tpu.memory_space<hbm>> -> memref<1x10000x128xf32, #tpu.memory_space<hbm>>
        %dma_start3A_16 = tpu.memref_squeeze %dma_start3A_15 : memref<1x10000x128xf32, #tpu.memory_space<hbm>> -> memref<10000x128xf32, #tpu.memory_space<hbm>>
        tpu.enqueue_dma source(%arg11 : memref<10000x128xf32, #tpu.memory_space<vmem_shared>>) target(%dma_start3A_16 : memref<10000x128xf32, #tpu.memory_space<hbm>>) target_semaphore(%run_scoped3A : memref<!tpu.dma_semaphore, #tpu.memory_space<semaphore_mem>>)
        %dma_wait3A = arith.constant 0 : i32
        %dma_wait3A_17 = arith.constant 0 : i32
        %dma_wait3A_18 = tpu.memref_slice %arg6[%arg0, %dma_wait3A, %dma_wait3A_17] : memref<2x10000x128xf32, #tpu.memory_space<hbm>> -> memref<1x10000x128xf32, #tpu.memory_space<hbm>>
        %dma_wait3A_19 = tpu.memref_squeeze %dma_wait3A_18 : memref<1x10000x128xf32, #tpu.memory_space<hbm>> -> memref<10000x128xf32, #tpu.memory_space<hbm>>
        tpu.wait_dma2 semaphore(%run_scoped3A : memref<!tpu.dma_semaphore, #tpu.memory_space<semaphore_mem>>) src(%arg11 : memref<10000x128xf32, #tpu.memory_space<vmem_shared>>) dst(%dma_wait3A_19 : memref<10000x128xf32, #tpu.memory_space<hbm>>)
        tpu.yield
      }) : () -> ()
    } else {
    }
    return
  }
}

#map = affine_map<(d0, d1) -> (0, 0, 0)>
#map1 = affine_map<(d0, d1) -> (0)>
#map2 = affine_map<(d0, d1) -> (0, 0)>
module attributes {stable_mosaic.version = 14 : i64} {
  func.func @_sc_deg(%arg0: i32, %arg1: i32, %arg2: memref<32x125x80xi32, #tpu.memory_space<hbm>>, %arg3: memref<10000xf32, #tpu.memory_space<hbm>>, %arg4: memref<2x10000xf32, #tpu.memory_space<hbm>>, %arg5: memref<125x80xi32, #tpu.memory_space<vmem>>, %arg6: memref<80xf32, #tpu.memory_space<vmem>>, %arg7: memref<10000xf32, #tpu.memory_space<vmem_shared>>) attributes {dimension_semantics = [#tpu.dimension_semantics<core_parallel>, #tpu.dimension_semantics<subcore_parallel>], iteration_bounds = array<i64: 2, 16>, scalar_prefetch = 0 : i64, scratch_operands = 3 : i64, tpu.core_type = #tpu.core_type<sc_vector_subcore>, window_params = [{transform_indices = #map}, {transform_indices = #map1}, {transform_indices = #map2}]} {
    %mul3A = arith.constant 16 : i32
    %mul3A_0 = arith.muli %arg0, %mul3A : i32
    %add3A = arith.addi %mul3A_0, %arg1 : i32
    %broadcast_in_dim3A = arith.constant 1.000000e+00 : f32
    %broadcast_in_dim3A_1 = vector.broadcast %broadcast_in_dim3A : f32 to vector<16xf32>
    %swap3A = arith.constant 0 : index
    %swap3A_2 = tpu.vector_load %arg6[%swap3A] {strides = array<i32>} : memref<80xf32, #tpu.memory_space<vmem>>, vector<16xf32>,
    %swap3A_3 = vector.shape_cast %swap3A_2 : vector<16xf32> to vector<16xf32>
    %swap3A_4 = vector.shape_cast %broadcast_in_dim3A_1 : vector<16xf32> to vector<16xf32>
    tpu.vector_store %arg6[%swap3A], %swap3A_4 {strides = array<i32>} : memref<80xf32, #tpu.memory_space<vmem>>, vector<16xf32>,
    %broadcast_in_dim3A_5 = arith.constant 1.000000e+00 : f32
    %broadcast_in_dim3A_6 = vector.broadcast %broadcast_in_dim3A_5 : f32 to vector<16xf32>
    %swap3A_7 = arith.constant 16 : index
    %swap3A_8 = tpu.vector_load %arg6[%swap3A_7] {strides = array<i32>} : memref<80xf32, #tpu.memory_space<vmem>>, vector<16xf32>,
    %swap3A_9 = vector.shape_cast %swap3A_8 : vector<16xf32> to vector<16xf32>
    %swap3A_10 = vector.shape_cast %broadcast_in_dim3A_6 : vector<16xf32> to vector<16xf32>
    tpu.vector_store %arg6[%swap3A_7], %swap3A_10 {strides = array<i32>} : memref<80xf32, #tpu.memory_space<vmem>>, vector<16xf32>,
    %broadcast_in_dim3A_11 = arith.constant 1.000000e+00 : f32
    %broadcast_in_dim3A_12 = vector.broadcast %broadcast_in_dim3A_11 : f32 to vector<16xf32>
    %swap3A_13 = arith.constant 32 : index
    %swap3A_14 = tpu.vector_load %arg6[%swap3A_13] {strides = array<i32>} : memref<80xf32, #tpu.memory_space<vmem>>, vector<16xf32>,
    %swap3A_15 = vector.shape_cast %swap3A_14 : vector<16xf32> to vector<16xf32>
    %swap3A_16 = vector.shape_cast %broadcast_in_dim3A_12 : vector<16xf32> to vector<16xf32>
    tpu.vector_store %arg6[%swap3A_13], %swap3A_16 {strides = array<i32>} : memref<80xf32, #tpu.memory_space<vmem>>, vector<16xf32>,
    %broadcast_in_dim3A_17 = arith.constant 1.000000e+00 : f32
    %broadcast_in_dim3A_18 = vector.broadcast %broadcast_in_dim3A_17 : f32 to vector<16xf32>
    %swap3A_19 = arith.constant 48 : index
    %swap3A_20 = tpu.vector_load %arg6[%swap3A_19] {strides = array<i32>} : memref<80xf32, #tpu.memory_space<vmem>>, vector<16xf32>,
    %swap3A_21 = vector.shape_cast %swap3A_20 : vector<16xf32> to vector<16xf32>
    %swap3A_22 = vector.shape_cast %broadcast_in_dim3A_18 : vector<16xf32> to vector<16xf32>
    tpu.vector_store %arg6[%swap3A_19], %swap3A_22 {strides = array<i32>} : memref<80xf32, #tpu.memory_space<vmem>>, vector<16xf32>,
    %broadcast_in_dim3A_23 = arith.constant 1.000000e+00 : f32
    %broadcast_in_dim3A_24 = vector.broadcast %broadcast_in_dim3A_23 : f32 to vector<16xf32>
    %swap3A_25 = arith.constant 64 : index
    %swap3A_26 = tpu.vector_load %arg6[%swap3A_25] {strides = array<i32>} : memref<80xf32, #tpu.memory_space<vmem>>, vector<16xf32>,
    %swap3A_27 = vector.shape_cast %swap3A_26 : vector<16xf32> to vector<16xf32>
    %swap3A_28 = vector.shape_cast %broadcast_in_dim3A_24 : vector<16xf32> to vector<16xf32>
    tpu.vector_store %arg6[%swap3A_25], %swap3A_28 {strides = array<i32>} : memref<80xf32, #tpu.memory_space<vmem>>, vector<16xf32>,
    %eq3A = arith.constant 0 : i32
    %eq3A_29 = arith.cmpi eq, %arg1, %eq3A : i32
    %convert_element_type3A = arith.extui %eq3A_29 : i1 to i32
    %cond3A = arith.constant 0 : i32
    %cond3A_30 = arith.cmpi ne, %convert_element_type3A, %cond3A : i32
    scf.if %cond3A_30 {
      "tpu.region"() ({
        %run_scoped3A = tpu.sem_alloc : memref<!tpu.dma_semaphore, #tpu.memory_space<semaphore_mem>>
        tpu.enqueue_dma source(%arg3 : memref<10000xf32, #tpu.memory_space<hbm>>) target(%arg7 : memref<10000xf32, #tpu.memory_space<vmem_shared>>) target_semaphore(%run_scoped3A : memref<!tpu.dma_semaphore, #tpu.memory_space<semaphore_mem>>)
        tpu.wait_dma2 semaphore(%run_scoped3A : memref<!tpu.dma_semaphore, #tpu.memory_space<semaphore_mem>>) src(%arg3 : memref<10000xf32, #tpu.memory_space<hbm>>) dst(%arg7 : memref<10000xf32, #tpu.memory_space<vmem_shared>>)
        tpu.yield
      }) : () -> ()
    } else {
    }
    %barrier3A = arith.constant 0 : index
    tpu.barrier barrier_id(%barrier3A)
    "tpu.region"() ({
      %run_scoped3A = tpu.sem_alloc : memref<!tpu.dma_semaphore, #tpu.memory_space<semaphore_mem>>
      %dma_start3A = arith.constant 0 : i32
      %dma_start3A_42 = arith.constant 0 : i32
      %dma_start3A_43 = tpu.memref_slice %arg2[%add3A, %dma_start3A, %dma_start3A_42] : memref<32x125x80xi32, #tpu.memory_space<hbm>> -> memref<1x125x80xi32, #tpu.memory_space<hbm>>
      %dma_start3A_44 = tpu.memref_squeeze %dma_start3A_43 : memref<1x125x80xi32, #tpu.memory_space<hbm>> -> memref<125x80xi32, #tpu.memory_space<hbm>>
      %dma_start3A_45 = arith.constant 0 : i32
      %dma_start3A_46 = arith.constant 0 : i32
      %dma_start3A_47 = tpu.memref_slice %arg2[%add3A, %dma_start3A_45, %dma_start3A_46] : memref<32x125x80xi32, #tpu.memory_space<hbm>> -> memref<1x125x80xi32, #tpu.memory_space<hbm>>
      %dma_start3A_48 = tpu.memref_squeeze %dma_start3A_47 : memref<1x125x80xi32, #tpu.memory_space<hbm>> -> memref<125x80xi32, #tpu.memory_space<hbm>>
      tpu.enqueue_dma source(%dma_start3A_48 : memref<125x80xi32, #tpu.memory_space<hbm>>) target(%arg5 : memref<125x80xi32, #tpu.memory_space<vmem>>) target_semaphore(%run_scoped3A : memref<!tpu.dma_semaphore, #tpu.memory_space<semaphore_mem>>)
      %dma_wait3A = arith.constant 0 : i32
      %dma_wait3A_49 = arith.constant 0 : i32
      %dma_wait3A_50 = tpu.memref_slice %arg2[%add3A, %dma_wait3A, %dma_wait3A_49] : memref<32x125x80xi32, #tpu.memory_space<hbm>> -> memref<1x125x80xi32, #tpu.memory_space<hbm>>
      %dma_wait3A_51 = tpu.memref_squeeze %dma_wait3A_50 : memref<1x125x80xi32, #tpu.memory_space<hbm>> -> memref<125x80xi32, #tpu.memory_space<hbm>>
      %dma_wait3A_52 = arith.constant 0 : i32
      %dma_wait3A_53 = arith.constant 0 : i32
      %dma_wait3A_54 = tpu.memref_slice %arg2[%add3A, %dma_wait3A_52, %dma_wait3A_53] : memref<32x125x80xi32, #tpu.memory_space<hbm>> -> memref<1x125x80xi32, #tpu.memory_space<hbm>>
      %dma_wait3A_55 = tpu.memref_squeeze %dma_wait3A_54 : memref<1x125x80xi32, #tpu.memory_space<hbm>> -> memref<125x80xi32, #tpu.memory_space<hbm>>
      tpu.wait_dma2 semaphore(%run_scoped3A : memref<!tpu.dma_semaphore, #tpu.memory_space<semaphore_mem>>) src(%dma_wait3A_55 : memref<125x80xi32, #tpu.memory_space<hbm>>) dst(%arg5 : memref<125x80xi32, #tpu.memory_space<vmem>>)
      tpu.yield
    }) : () -> ()
    %scan3A = arith.constant 0 : i32
    %scan3A_31 = arith.constant 0 : i32
    %scan3A_32 = arith.constant 125 : i32
    %scan3A_33 = arith.addi %scan3A_31, %scan3A_32 : i32
    %scan3A_34 = arith.constant 1 : i32
    scf.for %scan3A_42 = %scan3A_31 to %scan3A_33 step %scan3A_34  : i32 {
      "tpu.region"() ({
        %run_scoped3A = tpu.sem_alloc : memref<!tpu.dma_semaphore, #tpu.memory_space<semaphore_mem>>
        %dma_start3A = arith.constant 0 : i32
        %dma_start3A_43 = tpu.memref_slice %arg5[%scan3A_42, %dma_start3A] : memref<125x80xi32, #tpu.memory_space<vmem>> -> memref<1x80xi32, #tpu.memory_space<vmem>>
        %dma_start3A_44 = tpu.memref_squeeze %dma_start3A_43 : memref<1x80xi32, #tpu.memory_space<vmem>> -> memref<80xi32, #tpu.memory_space<vmem>>
        %dma_start3A_45 = arith.constant 0 : i32
        %dma_start3A_46 = tpu.memref_slice %arg7[%dma_start3A_45] : memref<10000xf32, #tpu.memory_space<vmem_shared>> -> memref<10000xf32, #tpu.memory_space<vmem_shared>>
        tpu.enqueue_indirect_dma source(%arg6 : memref<80xf32, #tpu.memory_space<vmem>>) target(%dma_start3A_46 : memref<10000xf32, #tpu.memory_space<vmem_shared>>) offsets(%dma_start3A_44 : memref<80xi32, #tpu.memory_space<vmem>>) semaphore(%run_scoped3A : memref<!tpu.dma_semaphore, #tpu.memory_space<semaphore_mem>>) {add = true}
        %dma_wait3A = arith.constant 0 : i32
        %dma_wait3A_47 = tpu.memref_slice %arg5[%scan3A_42, %dma_wait3A] : memref<125x80xi32, #tpu.memory_space<vmem>> -> memref<1x80xi32, #tpu.memory_space<vmem>>
        %dma_wait3A_48 = tpu.memref_squeeze %dma_wait3A_47 : memref<1x80xi32, #tpu.memory_space<vmem>> -> memref<80xi32, #tpu.memory_space<vmem>>
        %dma_wait3A_49 = arith.constant 0 : i32
        %dma_wait3A_50 = tpu.memref_slice %arg7[%dma_wait3A_49] : memref<10000xf32, #tpu.memory_space<vmem_shared>> -> memref<10000xf32, #tpu.memory_space<vmem_shared>>
        tpu.wait_indirect_dma semaphore(%run_scoped3A : memref<!tpu.dma_semaphore, #tpu.memory_space<semaphore_mem>>) src(%arg6 : memref<80xf32, #tpu.memory_space<vmem>>) dst(%dma_wait3A_50 : memref<10000xf32, #tpu.memory_space<vmem_shared>>)
        tpu.yield
      }) : () -> ()
    }
    %scan3A_35 = arith.constant 125 : i32
    %barrier3A_36 = arith.constant 0 : index
    tpu.barrier barrier_id(%barrier3A_36)
    %eq3A_37 = arith.constant 0 : i32
    %eq3A_38 = arith.cmpi eq, %arg1, %eq3A_37 : i32
    %convert_element_type3A_39 = arith.extui %eq3A_38 : i1 to i32
    %cond3A_40 = arith.constant 0 : i32
    %cond3A_41 = arith.cmpi ne, %convert_element_type3A_39, %cond3A_40 : i32
    scf.if %cond3A_41 {
      "tpu.region"() ({
        %run_scoped3A = tpu.sem_alloc : memref<!tpu.dma_semaphore, #tpu.memory_space<semaphore_mem>>
        %dma_start3A = arith.constant 0 : i32
        %dma_start3A_42 = tpu.memref_slice %arg4[%arg0, %dma_start3A] : memref<2x10000xf32, #tpu.memory_space<hbm>> -> memref<1x10000xf32, #tpu.memory_space<hbm>>
        %dma_start3A_43 = tpu.memref_squeeze %dma_start3A_42 : memref<1x10000xf32, #tpu.memory_space<hbm>> -> memref<10000xf32, #tpu.memory_space<hbm>>
        tpu.enqueue_dma source(%arg7 : memref<10000xf32, #tpu.memory_space<vmem_shared>>) target(%dma_start3A_43 : memref<10000xf32, #tpu.memory_space<hbm>>) target_semaphore(%run_scoped3A : memref<!tpu.dma_semaphore, #tpu.memory_space<semaphore_mem>>)
        %dma_wait3A = arith.constant 0 : i32
        %dma_wait3A_44 = tpu.memref_slice %arg4[%arg0, %dma_wait3A] : memref<2x10000xf32, #tpu.memory_space<hbm>> -> memref<1x10000xf32, #tpu.memory_space<hbm>>
        %dma_wait3A_45 = tpu.memref_squeeze %dma_wait3A_44 : memref<1x10000xf32, #tpu.memory_space<hbm>> -> memref<10000xf32, #tpu.memory_space<hbm>>
        tpu.wait_dma2 semaphore(%run_scoped3A : memref<!tpu.dma_semaphore, #tpu.memory_space<semaphore_mem>>) src(%arg7 : memref<10000xf32, #tpu.memory_space<vmem_shared>>) dst(%dma_wait3A_45 : memref<10000xf32, #tpu.memory_space<hbm>>)
        tpu.yield
      }) : () -> ()
    } else {
    }
    return
  }
}

#map = affine_map<(d0, d1) -> (0, 0)>
#map1 = affine_map<(d0, d1) -> (0, 0, 0)>
module attributes {stable_mosaic.version = 14 : i64} {
  func.func @_sc_edge(%arg0: i32, %arg1: i32, %arg2: memref<10000x128xf32, #tpu.memory_space<hbm>>, %arg3: memref<32x125x80xi32, #tpu.memory_space<hbm>>, %arg4: memref<32x125x80xi32, #tpu.memory_space<hbm>>, %arg5: memref<10000x128xf32, #tpu.memory_space<hbm>>, %arg6: memref<2x10000x128xf32, #tpu.memory_space<hbm>>, %arg7: memref<125x80xi32, #tpu.memory_space<vmem>>, %arg8: memref<125x80xi32, #tpu.memory_space<vmem>>, %arg9: memref<80x128xf32, #tpu.memory_space<vmem>>, %arg10: memref<!tpu.dma_semaphore, #tpu.memory_space<semaphore_mem>>, %arg11: memref<10000x128xf32, #tpu.memory_space<vmem_shared>>) attributes {dimension_semantics = [#tpu.dimension_semantics<core_parallel>, #tpu.dimension_semantics<subcore_parallel>], iteration_bounds = array<i64: 2, 16>, scalar_prefetch = 0 : i64, scratch_operands = 5 : i64, tpu.core_type = #tpu.core_type<sc_vector_subcore>, window_params = [{transform_indices = #map}, {transform_indices = #map1}, {transform_indices = #map1}, {transform_indices = #map}, {transform_indices = #map1}]} {
    %mul3A = arith.constant 16 : i32
    %mul3A_0 = arith.muli %arg0, %mul3A : i32
    %add3A = arith.addi %mul3A_0, %arg1 : i32
    %eq3A = arith.constant 0 : i32
    %eq3A_1 = arith.cmpi eq, %arg1, %eq3A : i32
    %convert_element_type3A = arith.extui %eq3A_1 : i1 to i32
    %cond3A = arith.constant 0 : i32
    %cond3A_2 = arith.cmpi ne, %convert_element_type3A, %cond3A : i32
    scf.if %cond3A_2 {
      "tpu.region"() ({
        %run_scoped3A = tpu.sem_alloc : memref<!tpu.dma_semaphore, #tpu.memory_space<semaphore_mem>>
        tpu.enqueue_dma source(%arg5 : memref<10000x128xf32, #tpu.memory_space<hbm>>) target(%arg11 : memref<10000x128xf32, #tpu.memory_space<vmem_shared>>) target_semaphore(%run_scoped3A : memref<!tpu.dma_semaphore, #tpu.memory_space<semaphore_mem>>)
        tpu.wait_dma2 semaphore(%run_scoped3A : memref<!tpu.dma_semaphore, #tpu.memory_space<semaphore_mem>>) src(%arg5 : memref<10000x128xf32, #tpu.memory_space<hbm>>) dst(%arg11 : memref<10000x128xf32, #tpu.memory_space<vmem_shared>>)
        tpu.yield
      }) : () -> ()
    } else {
    }
    %barrier3A = arith.constant 0 : index
    tpu.barrier barrier_id(%barrier3A)
    "tpu.region"() ({
      %run_scoped3A = tpu.sem_alloc : memref<!tpu.dma_semaphore, #tpu.memory_space<semaphore_mem>>
      %dma_start3A = arith.constant 0 : i32
      %dma_start3A_14 = arith.constant 0 : i32
      %dma_start3A_15 = tpu.memref_slice %arg3[%add3A, %dma_start3A, %dma_start3A_14] : memref<32x125x80xi32, #tpu.memory_space<hbm>> -> memref<1x125x80xi32, #tpu.memory_space<hbm>>
      %dma_start3A_16 = tpu.memref_squeeze %dma_start3A_15 : memref<1x125x80xi32, #tpu.memory_space<hbm>> -> memref<125x80xi32, #tpu.memory_space<hbm>>
      %dma_start3A_17 = arith.constant 0 : i32
      %dma_start3A_18 = arith.constant 0 : i32
      %dma_start3A_19 = tpu.memref_slice %arg3[%add3A, %dma_start3A_17, %dma_start3A_18] : memref<32x125x80xi32, #tpu.memory_space<hbm>> -> memref<1x125x80xi32, #tpu.memory_space<hbm>>
      %dma_start3A_20 = tpu.memref_squeeze %dma_start3A_19 : memref<1x125x80xi32, #tpu.memory_space<hbm>> -> memref<125x80xi32, #tpu.memory_space<hbm>>
      tpu.enqueue_dma source(%dma_start3A_20 : memref<125x80xi32, #tpu.memory_space<hbm>>) target(%arg7 : memref<125x80xi32, #tpu.memory_space<vmem>>) target_semaphore(%run_scoped3A : memref<!tpu.dma_semaphore, #tpu.memory_space<semaphore_mem>>)
      %dma_wait3A = arith.constant 0 : i32
      %dma_wait3A_21 = arith.constant 0 : i32
      %dma_wait3A_22 = tpu.memref_slice %arg3[%add3A, %dma_wait3A, %dma_wait3A_21] : memref<32x125x80xi32, #tpu.memory_space<hbm>> -> memref<1x125x80xi32, #tpu.memory_space<hbm>>
      %dma_wait3A_23 = tpu.memref_squeeze %dma_wait3A_22 : memref<1x125x80xi32, #tpu.memory_space<hbm>> -> memref<125x80xi32, #tpu.memory_space<hbm>>
      %dma_wait3A_24 = arith.constant 0 : i32
      %dma_wait3A_25 = arith.constant 0 : i32
      %dma_wait3A_26 = tpu.memref_slice %arg3[%add3A, %dma_wait3A_24, %dma_wait3A_25] : memref<32x125x80xi32, #tpu.memory_space<hbm>> -> memref<1x125x80xi32, #tpu.memory_space<hbm>>
      %dma_wait3A_27 = tpu.memref_squeeze %dma_wait3A_26 : memref<1x125x80xi32, #tpu.memory_space<hbm>> -> memref<125x80xi32, #tpu.memory_space<hbm>>
      tpu.wait_dma2 semaphore(%run_scoped3A : memref<!tpu.dma_semaphore, #tpu.memory_space<semaphore_mem>>) src(%dma_wait3A_27 : memref<125x80xi32, #tpu.memory_space<hbm>>) dst(%arg7 : memref<125x80xi32, #tpu.memory_space<vmem>>)
      tpu.yield
    }) : () -> ()
    "tpu.region"() ({
      %run_scoped3A = tpu.sem_alloc : memref<!tpu.dma_semaphore, #tpu.memory_space<semaphore_mem>>
      %dma_start3A = arith.constant 0 : i32
      %dma_start3A_14 = arith.constant 0 : i32
      %dma_start3A_15 = tpu.memref_slice %arg4[%add3A, %dma_start3A, %dma_start3A_14] : memref<32x125x80xi32, #tpu.memory_space<hbm>> -> memref<1x125x80xi32, #tpu.memory_space<hbm>>
      %dma_start3A_16 = tpu.memref_squeeze %dma_start3A_15 : memref<1x125x80xi32, #tpu.memory_space<hbm>> -> memref<125x80xi32, #tpu.memory_space<hbm>>
      %dma_start3A_17 = arith.constant 0 : i32
      %dma_start3A_18 = arith.constant 0 : i32
      %dma_start3A_19 = tpu.memref_slice %arg4[%add3A, %dma_start3A_17, %dma_start3A_18] : memref<32x125x80xi32, #tpu.memory_space<hbm>> -> memref<1x125x80xi32, #tpu.memory_space<hbm>>
      %dma_start3A_20 = tpu.memref_squeeze %dma_start3A_19 : memref<1x125x80xi32, #tpu.memory_space<hbm>> -> memref<125x80xi32, #tpu.memory_space<hbm>>
      tpu.enqueue_dma source(%dma_start3A_20 : memref<125x80xi32, #tpu.memory_space<hbm>>) target(%arg8 : memref<125x80xi32, #tpu.memory_space<vmem>>) target_semaphore(%run_scoped3A : memref<!tpu.dma_semaphore, #tpu.memory_space<semaphore_mem>>)
      %dma_wait3A = arith.constant 0 : i32
      %dma_wait3A_21 = arith.constant 0 : i32
      %dma_wait3A_22 = tpu.memref_slice %arg4[%add3A, %dma_wait3A, %dma_wait3A_21] : memref<32x125x80xi32, #tpu.memory_space<hbm>> -> memref<1x125x80xi32, #tpu.memory_space<hbm>>
      %dma_wait3A_23 = tpu.memref_squeeze %dma_wait3A_22 : memref<1x125x80xi32, #tpu.memory_space<hbm>> -> memref<125x80xi32, #tpu.memory_space<hbm>>
      %dma_wait3A_24 = arith.constant 0 : i32
      %dma_wait3A_25 = arith.constant 0 : i32
      %dma_wait3A_26 = tpu.memref_slice %arg4[%add3A, %dma_wait3A_24, %dma_wait3A_25] : memref<32x125x80xi32, #tpu.memory_space<hbm>> -> memref<1x125x80xi32, #tpu.memory_space<hbm>>
      %dma_wait3A_27 = tpu.memref_squeeze %dma_wait3A_26 : memref<1x125x80xi32, #tpu.memory_space<hbm>> -> memref<125x80xi32, #tpu.memory_space<hbm>>
      tpu.wait_dma2 semaphore(%run_scoped3A : memref<!tpu.dma_semaphore, #tpu.memory_space<semaphore_mem>>) src(%dma_wait3A_27 : memref<125x80xi32, #tpu.memory_space<hbm>>) dst(%arg8 : memref<125x80xi32, #tpu.memory_space<vmem>>)
      tpu.yield
    }) : () -> ()
    %scan3A = arith.constant 0 : i32
    %scan3A_3 = arith.constant 0 : i32
    %scan3A_4 = arith.constant 125 : i32
    %scan3A_5 = arith.addi %scan3A_3, %scan3A_4 : i32
    %scan3A_6 = arith.constant 1 : i32
    scf.for %scan3A_14 = %scan3A_3 to %scan3A_5 step %scan3A_6  : i32 {
      %dma_start3A = arith.constant 0 : i32
      %dma_start3A_15 = tpu.memref_slice %arg7[%scan3A_14, %dma_start3A] : memref<125x80xi32, #tpu.memory_space<vmem>> -> memref<1x80xi32, #tpu.memory_space<vmem>>
      %dma_start3A_16 = tpu.memref_squeeze %dma_start3A_15 : memref<1x80xi32, #tpu.memory_space<vmem>> -> memref<80xi32, #tpu.memory_space<vmem>>
      %dma_start3A_17 = arith.constant 0 : i32
      %dma_start3A_18 = arith.constant 0 : i32
      %dma_start3A_19 = tpu.memref_slice %arg2[%dma_start3A_17, %dma_start3A_18] : memref<10000x128xf32, #tpu.memory_space<hbm>> -> memref<10000x128xf32, #tpu.memory_space<hbm>>
      tpu.enqueue_indirect_dma source(%dma_start3A_19 : memref<10000x128xf32, #tpu.memory_space<hbm>>) target(%arg9 : memref<80x128xf32, #tpu.memory_space<vmem>>) offsets(%dma_start3A_16 : memref<80xi32, #tpu.memory_space<vmem>>) semaphore(%arg10 : memref<!tpu.dma_semaphore, #tpu.memory_space<semaphore_mem>>)
      %dma_wait3A = arith.constant 0 : i32
      %dma_wait3A_20 = tpu.memref_slice %arg7[%scan3A_14, %dma_wait3A] : memref<125x80xi32, #tpu.memory_space<vmem>> -> memref<1x80xi32, #tpu.memory_space<vmem>>
      %dma_wait3A_21 = tpu.memref_squeeze %dma_wait3A_20 : memref<1x80xi32, #tpu.memory_space<vmem>> -> memref<80xi32, #tpu.memory_space<vmem>>
      %dma_wait3A_22 = arith.constant 0 : i32
      %dma_wait3A_23 = arith.constant 0 : i32
      %dma_wait3A_24 = tpu.memref_slice %arg2[%dma_wait3A_22, %dma_wait3A_23] : memref<10000x128xf32, #tpu.memory_space<hbm>> -> memref<10000x128xf32, #tpu.memory_space<hbm>>
      tpu.wait_indirect_dma semaphore(%arg10 : memref<!tpu.dma_semaphore, #tpu.memory_space<semaphore_mem>>) src(%dma_wait3A_24 : memref<10000x128xf32, #tpu.memory_space<hbm>>) dst(%arg9 : memref<80x128xf32, #tpu.memory_space<vmem>>)
      "tpu.region"() ({
        %run_scoped3A = tpu.sem_alloc : memref<!tpu.dma_semaphore, #tpu.memory_space<semaphore_mem>>
        %dma_start3A_25 = arith.constant 0 : i32
        %dma_start3A_26 = tpu.memref_slice %arg8[%scan3A_14, %dma_start3A_25] : memref<125x80xi32, #tpu.memory_space<vmem>> -> memref<1x80xi32, #tpu.memory_space<vmem>>
        %dma_start3A_27 = tpu.memref_squeeze %dma_start3A_26 : memref<1x80xi32, #tpu.memory_space<vmem>> -> memref<80xi32, #tpu.memory_space<vmem>>
        %dma_start3A_28 = arith.constant 0 : i32
        %dma_start3A_29 = arith.constant 0 : i32
        %dma_start3A_30 = tpu.memref_slice %arg11[%dma_start3A_28, %dma_start3A_29] : memref<10000x128xf32, #tpu.memory_space<vmem_shared>> -> memref<10000x128xf32, #tpu.memory_space<vmem_shared>>
        tpu.enqueue_indirect_dma source(%arg9 : memref<80x128xf32, #tpu.memory_space<vmem>>) target(%dma_start3A_30 : memref<10000x128xf32, #tpu.memory_space<vmem_shared>>) offsets(%dma_start3A_27 : memref<80xi32, #tpu.memory_space<vmem>>) semaphore(%run_scoped3A : memref<!tpu.dma_semaphore, #tpu.memory_space<semaphore_mem>>) {add = true}
        %dma_wait3A_31 = arith.constant 0 : i32
        %dma_wait3A_32 = tpu.memref_slice %arg8[%scan3A_14, %dma_wait3A_31] : memref<125x80xi32, #tpu.memory_space<vmem>> -> memref<1x80xi32, #tpu.memory_space<vmem>>
        %dma_wait3A_33 = tpu.memref_squeeze %dma_wait3A_32 : memref<1x80xi32, #tpu.memory_space<vmem>> -> memref<80xi32, #tpu.memory_space<vmem>>
        %dma_wait3A_34 = arith.constant 0 : i32
        %dma_wait3A_35 = arith.constant 0 : i32
        %dma_wait3A_36 = tpu.memref_slice %arg11[%dma_wait3A_34, %dma_wait3A_35] : memref<10000x128xf32, #tpu.memory_space<vmem_shared>> -> memref<10000x128xf32, #tpu.memory_space<vmem_shared>>
        tpu.wait_indirect_dma semaphore(%run_scoped3A : memref<!tpu.dma_semaphore, #tpu.memory_space<semaphore_mem>>) src(%arg9 : memref<80x128xf32, #tpu.memory_space<vmem>>) dst(%dma_wait3A_36 : memref<10000x128xf32, #tpu.memory_space<vmem_shared>>)
        tpu.yield
      }) : () -> ()
    }
    %scan3A_7 = arith.constant 125 : i32
    %barrier3A_8 = arith.constant 0 : index
    tpu.barrier barrier_id(%barrier3A_8)
    %eq3A_9 = arith.constant 0 : i32
    %eq3A_10 = arith.cmpi eq, %arg1, %eq3A_9 : i32
    %convert_element_type3A_11 = arith.extui %eq3A_10 : i1 to i32
    %cond3A_12 = arith.constant 0 : i32
    %cond3A_13 = arith.cmpi ne, %convert_element_type3A_11, %cond3A_12 : i32
    scf.if %cond3A_13 {
      "tpu.region"() ({
        %run_scoped3A = tpu.sem_alloc : memref<!tpu.dma_semaphore, #tpu.memory_space<semaphore_mem>>
        %dma_start3A = arith.constant 0 : i32
        %dma_start3A_14 = arith.constant 0 : i32
        %dma_start3A_15 = tpu.memref_slice %arg6[%arg0, %dma_start3A, %dma_start3A_14] : memref<2x10000x128xf32, #tpu.memory_space<hbm>> -> memref<1x10000x128xf32, #tpu.memory_space<hbm>>
        %dma_start3A_16 = tpu.memref_squeeze %dma_start3A_15 : memref<1x10000x128xf32, #tpu.memory_space<hbm>> -> memref<10000x128xf32, #tpu.memory_space<hbm>>
        tpu.enqueue_dma source(%arg11 : memref<10000x128xf32, #tpu.memory_space<vmem_shared>>) target(%dma_start3A_16 : memref<10000x128xf32, #tpu.memory_space<hbm>>) target_semaphore(%run_scoped3A : memref<!tpu.dma_semaphore, #tpu.memory_space<semaphore_mem>>)
        %dma_wait3A = arith.constant 0 : i32
        %dma_wait3A_17 = arith.constant 0 : i32
        %dma_wait3A_18 = tpu.memref_slice %arg6[%arg0, %dma_wait3A, %dma_wait3A_17] : memref<2x10000x128xf32, #tpu.memory_space<hbm>> -> memref<1x10000x128xf32, #tpu.memory_space<hbm>>
        %dma_wait3A_19 = tpu.memref_squeeze %dma_wait3A_18 : memref<1x10000x128xf32, #tpu.memory_space<hbm>> -> memref<10000x128xf32, #tpu.memory_space<hbm>>
        tpu.wait_dma2 semaphore(%run_scoped3A : memref<!tpu.dma_semaphore, #tpu.memory_space<semaphore_mem>>) src(%arg11 : memref<10000x128xf32, #tpu.memory_space<vmem_shared>>) dst(%dma_wait3A_19 : memref<10000x128xf32, #tpu.memory_space<hbm>>)
        tpu.yield
      }) : () -> ()
    } else {
    }
    return
  }
}

#map = affine_map<(d0, d1) -> (0, 0)>
#map1 = affine_map<(d0, d1) -> (0, 0, 0)>
module attributes {stable_mosaic.version = 14 : i64} {
  func.func @_sc_scatter_rows(%arg0: i32, %arg1: i32, %arg2: memref<10240x256xf32, #tpu.memory_space<hbm>>, %arg3: memref<32x4x80xi32, #tpu.memory_space<hbm>>, %arg4: memref<5064x256xf32, #tpu.memory_space<hbm>>, %arg5: memref<4x80xi32, #tpu.memory_space<vmem>>, %arg6: memref<80x256xf32, #tpu.memory_space<vmem>>) attributes {dimension_semantics = [#tpu.dimension_semantics<core_parallel>, #tpu.dimension_semantics<subcore_parallel>], iteration_bounds = array<i64: 2, 16>, scalar_prefetch = 0 : i64, scratch_operands = 2 : i64, tpu.core_type = #tpu.core_type<sc_vector_subcore>, window_params = [{transform_indices = #map}, {transform_indices = #map1}, {transform_indices = #map}]} {
    %mul3A = arith.constant 16 : i32
    %mul3A_0 = arith.muli %arg0, %mul3A : i32
    %add3A = arith.addi %mul3A_0, %arg1 : i32
    "tpu.region"() ({
      %run_scoped3A = tpu.sem_alloc : memref<!tpu.dma_semaphore, #tpu.memory_space<semaphore_mem>>
      %dma_start3A = arith.constant 0 : i32
      %dma_start3A_6 = arith.constant 0 : i32
      %dma_start3A_7 = tpu.memref_slice %arg3[%add3A, %dma_start3A, %dma_start3A_6] : memref<32x4x80xi32, #tpu.memory_space<hbm>> -> memref<1x4x80xi32, #tpu.memory_space<hbm>>
      %dma_start3A_8 = tpu.memref_squeeze %dma_start3A_7 : memref<1x4x80xi32, #tpu.memory_space<hbm>> -> memref<4x80xi32, #tpu.memory_space<hbm>>
      %dma_start3A_9 = arith.constant 0 : i32
      %dma_start3A_10 = arith.constant 0 : i32
      %dma_start3A_11 = tpu.memref_slice %arg3[%add3A, %dma_start3A_9, %dma_start3A_10] : memref<32x4x80xi32, #tpu.memory_space<hbm>> -> memref<1x4x80xi32, #tpu.memory_space<hbm>>
      %dma_start3A_12 = tpu.memref_squeeze %dma_start3A_11 : memref<1x4x80xi32, #tpu.memory_space<hbm>> -> memref<4x80xi32, #tpu.memory_space<hbm>>
      tpu.enqueue_dma source(%dma_start3A_12 : memref<4x80xi32, #tpu.memory_space<hbm>>) target(%arg5 : memref<4x80xi32, #tpu.memory_space<vmem>>) target_semaphore(%run_scoped3A : memref<!tpu.dma_semaphore, #tpu.memory_space<semaphore_mem>>)
      %dma_wait3A = arith.constant 0 : i32
      %dma_wait3A_13 = arith.constant 0 : i32
      %dma_wait3A_14 = tpu.memref_slice %arg3[%add3A, %dma_wait3A, %dma_wait3A_13] : memref<32x4x80xi32, #tpu.memory_space<hbm>> -> memref<1x4x80xi32, #tpu.memory_space<hbm>>
      %dma_wait3A_15 = tpu.memref_squeeze %dma_wait3A_14 : memref<1x4x80xi32, #tpu.memory_space<hbm>> -> memref<4x80xi32, #tpu.memory_space<hbm>>
      %dma_wait3A_16 = arith.constant 0 : i32
      %dma_wait3A_17 = arith.constant 0 : i32
      %dma_wait3A_18 = tpu.memref_slice %arg3[%add3A, %dma_wait3A_16, %dma_wait3A_17] : memref<32x4x80xi32, #tpu.memory_space<hbm>> -> memref<1x4x80xi32, #tpu.memory_space<hbm>>
      %dma_wait3A_19 = tpu.memref_squeeze %dma_wait3A_18 : memref<1x4x80xi32, #tpu.memory_space<hbm>> -> memref<4x80xi32, #tpu.memory_space<hbm>>
      tpu.wait_dma2 semaphore(%run_scoped3A : memref<!tpu.dma_semaphore, #tpu.memory_space<semaphore_mem>>) src(%dma_wait3A_19 : memref<4x80xi32, #tpu.memory_space<hbm>>) dst(%arg5 : memref<4x80xi32, #tpu.memory_space<vmem>>)
      tpu.yield
    }) : () -> ()
    %scan3A = arith.constant 0 : i32
    %scan3A_1 = arith.constant 0 : i32
    %scan3A_2 = arith.constant 4 : i32
    %scan3A_3 = arith.addi %scan3A_1, %scan3A_2 : i32
    %scan3A_4 = arith.constant 1 : i32
    scf.for %scan3A_6 = %scan3A_1 to %scan3A_3 step %scan3A_4  : i32 {
      %mul3A_7 = arith.constant 320 : i32
      %mul3A_8 = arith.muli %add3A, %mul3A_7 : i32
      %mul3A_9 = arith.constant 80 : i32
      %mul3A_10 = arith.muli %scan3A_6, %mul3A_9 : i32
      %add3A_11 = arith.addi %mul3A_8, %mul3A_10 : i32
      "tpu.region"() ({
        %run_scoped3A = tpu.sem_alloc : memref<!tpu.dma_semaphore, #tpu.memory_space<semaphore_mem>>
        %dma_start3A = arith.constant 0 : i32
        %dma_start3A_12 = tpu.memref_slice %arg2[%add3A_11, %dma_start3A] : memref<10240x256xf32, #tpu.memory_space<hbm>> -> memref<80x256xf32, #tpu.memory_space<hbm>>
        %dma_start3A_13 = arith.constant 0 : i32
        %dma_start3A_14 = tpu.memref_slice %arg2[%add3A_11, %dma_start3A_13] : memref<10240x256xf32, #tpu.memory_space<hbm>> -> memref<80x256xf32, #tpu.memory_space<hbm>>
        tpu.enqueue_dma source(%dma_start3A_14 : memref<80x256xf32, #tpu.memory_space<hbm>>) target(%arg6 : memref<80x256xf32, #tpu.memory_space<vmem>>) target_semaphore(%run_scoped3A : memref<!tpu.dma_semaphore, #tpu.memory_space<semaphore_mem>>)
        %dma_wait3A = arith.constant 0 : i32
        %dma_wait3A_15 = tpu.memref_slice %arg2[%add3A_11, %dma_wait3A] : memref<10240x256xf32, #tpu.memory_space<hbm>> -> memref<80x256xf32, #tpu.memory_space<hbm>>
        %dma_wait3A_16 = arith.constant 0 : i32
        %dma_wait3A_17 = tpu.memref_slice %arg2[%add3A_11, %dma_wait3A_16] : memref<10240x256xf32, #tpu.memory_space<hbm>> -> memref<80x256xf32, #tpu.memory_space<hbm>>
        tpu.wait_dma2 semaphore(%run_scoped3A : memref<!tpu.dma_semaphore, #tpu.memory_space<semaphore_mem>>) src(%dma_wait3A_17 : memref<80x256xf32, #tpu.memory_space<hbm>>) dst(%arg6 : memref<80x256xf32, #tpu.memory_space<vmem>>)
        tpu.yield
      }) : () -> ()
      "tpu.region"() ({
        %run_scoped3A = tpu.sem_alloc : memref<!tpu.dma_semaphore, #tpu.memory_space<semaphore_mem>>
        %dma_start3A = arith.constant 0 : i32
        %dma_start3A_12 = tpu.memref_slice %arg5[%scan3A_6, %dma_start3A] : memref<4x80xi32, #tpu.memory_space<vmem>> -> memref<1x80xi32, #tpu.memory_space<vmem>>
        %dma_start3A_13 = tpu.memref_squeeze %dma_start3A_12 : memref<1x80xi32, #tpu.memory_space<vmem>> -> memref<80xi32, #tpu.memory_space<vmem>>
        %dma_start3A_14 = arith.constant 0 : i32
        %dma_start3A_15 = arith.constant 0 : i32
        %dma_start3A_16 = tpu.memref_slice %arg4[%dma_start3A_14, %dma_start3A_15] : memref<5064x256xf32, #tpu.memory_space<hbm>> -> memref<5064x256xf32, #tpu.memory_space<hbm>>
        tpu.enqueue_indirect_dma source(%arg6 : memref<80x256xf32, #tpu.memory_space<vmem>>) target(%dma_start3A_16 : memref<5064x256xf32, #tpu.memory_space<hbm>>) offsets(%dma_start3A_13 : memref<80xi32, #tpu.memory_space<vmem>>) semaphore(%run_scoped3A : memref<!tpu.dma_semaphore, #tpu.memory_space<semaphore_mem>>)
        %dma_wait3A = arith.constant 0 : i32
        %dma_wait3A_17 = tpu.memref_slice %arg5[%scan3A_6, %dma_wait3A] : memref<4x80xi32, #tpu.memory_space<vmem>> -> memref<1x80xi32, #tpu.memory_space<vmem>>
        %dma_wait3A_18 = tpu.memref_squeeze %dma_wait3A_17 : memref<1x80xi32, #tpu.memory_space<vmem>> -> memref<80xi32, #tpu.memory_space<vmem>>
        %dma_wait3A_19 = arith.constant 0 : i32
        %dma_wait3A_20 = arith.constant 0 : i32
        %dma_wait3A_21 = tpu.memref_slice %arg4[%dma_wait3A_19, %dma_wait3A_20] : memref<5064x256xf32, #tpu.memory_space<hbm>> -> memref<5064x256xf32, #tpu.memory_space<hbm>>
        tpu.wait_indirect_dma semaphore(%run_scoped3A : memref<!tpu.dma_semaphore, #tpu.memory_space<semaphore_mem>>) src(%arg6 : memref<80x256xf32, #tpu.memory_space<vmem>>) dst(%dma_wait3A_21 : memref<5064x256xf32, #tpu.memory_space<hbm>>)
        tpu.yield
      }) : () -> ()
    }
    %scan3A_5 = arith.constant 4 : i32
    return
  }
}

module attributes {stable_mosaic.version = 14 : i64} {
  func.func @_mm1_body(%arg0: i32, %arg1: memref<1000x128xf32, #tpu.memory_space<vmem>>, %arg2: memref<1000x64xf32, #tpu.memory_space<vmem>>, %arg3: memref<128x128xf32, #tpu.memory_space<vmem>>, %arg4: memref<64x128xf32, #tpu.memory_space<vmem>>, %arg5: memref<1000x2xf32, #tpu.memory_space<vmem>>, %arg6: memref<1000x128xf32, #tpu.memory_space<vmem>>, %arg7: memref<1000x1xf32, #tpu.memory_space<vmem>>) attributes {dimension_semantics = [#tpu.dimension_semantics<arbitrary>], iteration_bounds = array<i64: 10>, scalar_prefetch = 0 : i64, scratch_operands = 0 : i64, tpu.core_type = #tpu.core_type<tc>, window_params = [{transform_indices = @transform_0, window_bounds = array<i64: 1000, 128>}, {transform_indices = @transform_1, window_bounds = array<i64: 1000, 64>}, {pipeline_mode = #tpu.pipeline_mode<synchronous>, transform_indices = @transform_2, window_bounds = array<i64: 128, 128>}, {pipeline_mode = #tpu.pipeline_mode<synchronous>, transform_indices = @transform_3, window_bounds = array<i64: 64, 128>}, {transform_indices = @transform_4, window_bounds = array<i64: 1000, 2>}, {transform_indices = @transform_5, window_bounds = array<i64: 1000, 128>}, {transform_indices = @transform_6, window_bounds = array<i64: 1000, 1>}]} {
    %get3A = arith.constant 0 : index
    %get3A_0 = arith.constant 0 : index
    %get3A_1 = vector.load %arg5[%get3A, %get3A_0] : memref<1000x2xf32, #tpu.memory_space<vmem>>, vector<1000x1xf32>
    %get3A_2 = arith.constant 0 : index
    %get3A_3 = arith.constant 1 : index
    %get3A_4 = vector.load %arg5[%get3A_2, %get3A_3] : memref<1000x2xf32, #tpu.memory_space<vmem>>, vector<1000x1xf32>
    %add3A = arith.addf %get3A_1, %get3A_4 : vector<1000x1xf32>
    %add3A_5 = arith.constant 1.000000e+00 : f32
    %add3A_6 = vector.broadcast %add3A_5 : f32 to vector<1000x1xf32>
    %add3A_7 = arith.addf %add3A, %add3A_6 : vector<1000x1xf32>
    %sqrt3A = math.sqrt %add3A_7 : vector<1000x1xf32>
    %div3A = arith.constant 1.000000e+00 : f32
    %div3A_8 = vector.broadcast %div3A : f32 to vector<1000x1xf32>
    %div3A_9 = arith.divf %div3A_8, %sqrt3A : vector<1000x1xf32>
    %get3A_10 = arith.constant 0 : index
    %get3A_11 = arith.constant 0 : index
    %get3A_12 = vector.load %arg1[%get3A_10, %get3A_11] : memref<1000x128xf32, #tpu.memory_space<vmem>>, vector<1000x128xf32>
    %get3A_13 = arith.constant 0 : index
    %get3A_14 = arith.constant 0 : index
    %get3A_15 = vector.load %arg3[%get3A_13, %get3A_14] : memref<128x128xf32, #tpu.memory_space<vmem>>, vector<128x128xf32>
    %dot_general3A = arith.constant dense<0.000000e+00> : vector<1000x128xf32>
    %dot_general3A_16 = tpu.matmul %get3A_12, %get3A_15, %dot_general3A {dimension_numbers = #tpu.dot_dimension_numbers<[1], [0], [0], [1], [0, 0, 1, 1], [], []>, precision = #tpu.contract_precision<fp32>, transpose_lhs_hint = false} : vector<1000x128xf32>, vector<128x128xf32>, vector<1000x128xf32> -> vector<1000x128xf32>
    %get3A_17 = arith.constant 0 : index
    %get3A_18 = arith.constant 0 : index
    %get3A_19 = vector.load %arg2[%get3A_17, %get3A_18] : memref<1000x64xf32, #tpu.memory_space<vmem>>, vector<1000x64xf32>
    %get3A_20 = arith.constant 0 : index
    %get3A_21 = arith.constant 0 : index
    %get3A_22 = vector.load %arg4[%get3A_20, %get3A_21] : memref<64x128xf32, #tpu.memory_space<vmem>>, vector<64x128xf32>
    %dot_general3A_23 = arith.constant dense<0.000000e+00> : vector<1000x128xf32>
    %dot_general3A_24 = tpu.matmul %get3A_19, %get3A_22, %dot_general3A_23 {dimension_numbers = #tpu.dot_dimension_numbers<[1], [0], [0], [1], [0, 0, 1, 1], [], []>, precision = #tpu.contract_precision<fp32>, transpose_lhs_hint = false} : vector<1000x64xf32>, vector<64x128xf32>, vector<1000x128xf32> -> vector<1000x128xf32>
    %add3A_25 = arith.addf %dot_general3A_16, %dot_general3A_24 : vector<1000x128xf32>
    %mul3A = vector.broadcast %div3A_9 : vector<1000x1xf32> to vector<1000x128xf32>
    %mul3A_26 = arith.mulf %add3A_25, %mul3A : vector<1000x128xf32>
    %swap3A = arith.constant 0 : index
    %swap3A_27 = arith.constant 0 : index
    %swap3A_28 = vector.load %arg6[%swap3A, %swap3A_27] : memref<1000x128xf32, #tpu.memory_space<vmem>>, vector<1000x128xf32>
    tpu.vector_store %arg6[%swap3A, %swap3A_27], %mul3A_26 {strides = array<i32>} : memref<1000x128xf32, #tpu.memory_space<vmem>>, vector<1000x128xf32>,
    %swap3A_29 = arith.constant 0 : index
    %swap3A_30 = arith.constant 0 : index
    %swap3A_31 = vector.load %arg7[%swap3A_29, %swap3A_30] : memref<1000x1xf32, #tpu.memory_space<vmem>>, vector<1000x1xf32>
    tpu.vector_store %arg7[%swap3A_29, %swap3A_30], %div3A_9 {strides = array<i32>} : memref<1000x1xf32, #tpu.memory_space<vmem>>, vector<1000x1xf32>,
    return
  }
  func.func @transform_0(%arg0: i32) -> (i32, i32) {
    %c0_i32 = arith.constant 0 : i32
    %c0_i32_0 = arith.constant 0 : i32
    return %arg0, %c0_i32 : i32, i32
  }
  func.func @transform_1(%arg0: i32) -> (i32, i32) {
    %c0_i32 = arith.constant 0 : i32
    %c0_i32_0 = arith.constant 0 : i32
    return %arg0, %c0_i32 : i32, i32
  }
  func.func @transform_2(%arg0: i32) -> (i32, i32) {
    %c0_i32 = arith.constant 0 : i32
    %c0_i32_0 = arith.constant 0 : i32
    %c0_i32_1 = arith.constant 0 : i32
    return %c0_i32, %c0_i32_0 : i32, i32
  }
  func.func @transform_3(%arg0: i32) -> (i32, i32) {
    %c0_i32 = arith.constant 0 : i32
    %c0_i32_0 = arith.constant 0 : i32
    %c0_i32_1 = arith.constant 0 : i32
    return %c0_i32, %c0_i32_0 : i32, i32
  }
  func.func @transform_4(%arg0: i32) -> (i32, i32) {
    %c0_i32 = arith.constant 0 : i32
    %c0_i32_0 = arith.constant 0 : i32
    return %arg0, %c0_i32 : i32, i32
  }
  func.func @transform_5(%arg0: i32) -> (i32, i32) {
    %c0_i32 = arith.constant 0 : i32
    %c0_i32_0 = arith.constant 0 : i32
    return %arg0, %c0_i32 : i32, i32
  }
  func.func @transform_6(%arg0: i32) -> (i32, i32) {
    %c0_i32 = arith.constant 0 : i32
    %c0_i32_0 = arith.constant 0 : i32
    return %arg0, %c0_i32 : i32, i32
  }
}

module attributes {stable_mosaic.version = 14 : i64} {
  func.func @_mm2_body(%arg0: i32, %arg1: memref<2x1000x128xf32, #tpu.memory_space<vmem>>, %arg2: memref<1000x128xf32, #tpu.memory_space<vmem>>, %arg3: memref<1000x1xf32, #tpu.memory_space<vmem>>, %arg4: memref<1x128xf32, #tpu.memory_space<vmem>>, %arg5: memref<128x128xf32, #tpu.memory_space<vmem>>, %arg6: memref<1000x128xf32, #tpu.memory_space<vmem>>) attributes {dimension_semantics = [#tpu.dimension_semantics<arbitrary>], iteration_bounds = array<i64: 10>, scalar_prefetch = 0 : i64, scratch_operands = 0 : i64, tpu.core_type = #tpu.core_type<tc>, window_params = [{transform_indices = @transform_0, window_bounds = array<i64: 2, 1000, 128>}, {transform_indices = @transform_1, window_bounds = array<i64: 1000, 128>}, {transform_indices = @transform_2, window_bounds = array<i64: 1000, 1>}, {pipeline_mode = #tpu.pipeline_mode<synchronous>, transform_indices = @transform_3, window_bounds = array<i64: 1, 128>}, {pipeline_mode = #tpu.pipeline_mode<synchronous>, transform_indices = @transform_4, window_bounds = array<i64: 128, 128>}, {transform_indices = @transform_5, window_bounds = array<i64: 1000, 128>}]} {
    %get3A = arith.constant 0 : index
    %get3A_0 = arith.constant 0 : index
    %get3A_1 = vector.load %arg3[%get3A, %get3A_0] : memref<1000x1xf32, #tpu.memory_space<vmem>>, vector<1000x1xf32>
    %get3A_2 = arith.constant 0 : index
    %get3A_3 = arith.constant 0 : index
    %get3A_4 = arith.constant 0 : index
    %get3A_5 = vector.load %arg1[%get3A_2, %get3A_3, %get3A_4] : memref<2x1000x128xf32, #tpu.memory_space<vmem>>, vector<1x1000x128xf32>
    %get3A_6 = vector.shape_cast %get3A_5 : vector<1x1000x128xf32> to vector<1000x128xf32>
    %get3A_7 = arith.constant 1 : index
    %get3A_8 = arith.constant 0 : index
    %get3A_9 = arith.constant 0 : index
    %get3A_10 = vector.load %arg1[%get3A_7, %get3A_8, %get3A_9] : memref<2x1000x128xf32, #tpu.memory_space<vmem>>, vector<1x1000x128xf32>
    %get3A_11 = vector.shape_cast %get3A_10 : vector<1x1000x128xf32> to vector<1000x128xf32>
    %add3A = arith.addf %get3A_6, %get3A_11 : vector<1000x128xf32>
    %get3A_12 = arith.constant 0 : index
    %get3A_13 = arith.constant 0 : index
    %get3A_14 = vector.load %arg2[%get3A_12, %get3A_13] : memref<1000x128xf32, #tpu.memory_space<vmem>>, vector<1000x128xf32>
    %add3A_15 = arith.addf %add3A, %get3A_14 : vector<1000x128xf32>
    %mul3A = vector.broadcast %get3A_1 : vector<1000x1xf32> to vector<1000x128xf32>
    %mul3A_16 = arith.mulf %add3A_15, %mul3A : vector<1000x128xf32>
    %get3A_17 = arith.constant 0 : index
    %get3A_18 = arith.constant 0 : index
    %get3A_19 = vector.load %arg4[%get3A_17, %get3A_18] : memref<1x128xf32, #tpu.memory_space<vmem>>, vector<1x128xf32>
    %add3A_20 = vector.broadcast %get3A_19 : vector<1x128xf32> to vector<1000x128xf32>
    %add3A_21 = arith.addf %mul3A_16, %add3A_20 : vector<1000x128xf32>
    %max3A = arith.constant 0.000000e+00 : f32
    %max3A_22 = vector.broadcast %max3A : f32 to vector<1000x128xf32>
    %max3A_23 = arith.maximumf %add3A_21, %max3A_22 : vector<1000x128xf32>
    %get3A_24 = arith.constant 0 : index
    %get3A_25 = arith.constant 0 : index
    %get3A_26 = vector.load %arg5[%get3A_24, %get3A_25] : memref<128x128xf32, #tpu.memory_space<vmem>>, vector<128x128xf32>
    %dot_general3A = arith.constant dense<0.000000e+00> : vector<1000x128xf32>
    %dot_general3A_27 = tpu.matmul %max3A_23, %get3A_26, %dot_general3A {dimension_numbers = #tpu.dot_dimension_numbers<[1], [0], [0], [1], [0, 0, 1, 1], [], []>, precision = #tpu.contract_precision<fp32>, transpose_lhs_hint = false} : vector<1000x128xf32>, vector<128x128xf32>, vector<1000x128xf32> -> vector<1000x128xf32>
    %mul3A_28 = vector.broadcast %get3A_1 : vector<1000x1xf32> to vector<1000x128xf32>
    %mul3A_29 = arith.mulf %dot_general3A_27, %mul3A_28 : vector<1000x128xf32>
    %swap3A = arith.constant 0 : index
    %swap3A_30 = arith.constant 0 : index
    %swap3A_31 = vector.load %arg6[%swap3A, %swap3A_30] : memref<1000x128xf32, #tpu.memory_space<vmem>>, vector<1000x128xf32>
    tpu.vector_store %arg6[%swap3A, %swap3A_30], %mul3A_29 {strides = array<i32>} : memref<1000x128xf32, #tpu.memory_space<vmem>>, vector<1000x128xf32>,
    return
  }
  func.func @transform_0(%arg0: i32) -> (i32, i32, i32) {
    %c0_i32 = arith.constant 0 : i32
    %c0_i32_0 = arith.constant 0 : i32
    %c0_i32_1 = arith.constant 0 : i32
    return %c0_i32, %arg0, %c0_i32_0 : i32, i32, i32
  }
  func.func @transform_1(%arg0: i32) -> (i32, i32) {
    %c0_i32 = arith.constant 0 : i32
    %c0_i32_0 = arith.constant 0 : i32
    return %arg0, %c0_i32 : i32, i32
  }
  func.func @transform_2(%arg0: i32) -> (i32, i32) {
    %c0_i32 = arith.constant 0 : i32
    %c0_i32_0 = arith.constant 0 : i32
    return %arg0, %c0_i32 : i32, i32
  }
  func.func @transform_3(%arg0: i32) -> (i32, i32) {
    %c0_i32 = arith.constant 0 : i32
    %c0_i32_0 = arith.constant 0 : i32
    %c0_i32_1 = arith.constant 0 : i32
    return %c0_i32, %c0_i32_0 : i32, i32
  }
  func.func @transform_4(%arg0: i32) -> (i32, i32) {
    %c0_i32 = arith.constant 0 : i32
    %c0_i32_0 = arith.constant 0 : i32
    %c0_i32_1 = arith.constant 0 : i32
    return %c0_i32, %c0_i32_0 : i32, i32
  }
  func.func @transform_5(%arg0: i32) -> (i32, i32) {
    %c0_i32 = arith.constant 0 : i32
    %c0_i32_0 = arith.constant 0 : i32
    return %arg0, %c0_i32 : i32, i32
  }
}

module attributes {stable_mosaic.version = 14 : i64} {
  func.func @_mm3_body(%arg0: i32, %arg1: memref<2x1024x128xf32, #tpu.memory_space<vmem>>, %arg2: memref<1024x128xf32, #tpu.memory_space<vmem>>, %arg3: memref<1024x1xf32, #tpu.memory_space<vmem>>, %arg4: memref<1x128xf32, #tpu.memory_space<vmem>>, %arg5: memref<1024x64xf32, #tpu.memory_space<vmem>>, %arg6: memref<64x1xf32, #tpu.memory_space<vmem>>, %arg7: memref<1024x256xf32, #tpu.memory_space<vmem>>, %arg8: memref<1024x1xf32, #tpu.memory_space<vmem>>) attributes {dimension_semantics = [#tpu.dimension_semantics<arbitrary>], iteration_bounds = array<i64: 10>, scalar_prefetch = 0 : i64, scratch_operands = 0 : i64, tpu.core_type = #tpu.core_type<tc>, window_params = [{transform_indices = @transform_0, window_bounds = array<i64: 2, 1024, 128>}, {transform_indices = @transform_1, window_bounds = array<i64: 1024, 128>}, {transform_indices = @transform_2, window_bounds = array<i64: 1024, 1>}, {pipeline_mode = #tpu.pipeline_mode<synchronous>, transform_indices = @transform_3, window_bounds = array<i64: 1, 128>}, {transform_indices = @transform_4, window_bounds = array<i64: 1024, 64>}, {pipeline_mode = #tpu.pipeline_mode<synchronous>, transform_indices = @transform_5, window_bounds = array<i64: 64, 1>}, {transform_indices = @transform_6, window_bounds = array<i64: 1024, 256>}, {transform_indices = @transform_7, window_bounds = array<i64: 1024, 1>}]} {
    %get3A = arith.constant 0 : index
    %get3A_0 = arith.constant 0 : index
    %get3A_1 = vector.load %arg3[%get3A, %get3A_0] : memref<1024x1xf32, #tpu.memory_space<vmem>>, vector<1024x1xf32>
    %get3A_2 = arith.constant 0 : index
    %get3A_3 = arith.constant 0 : index
    %get3A_4 = arith.constant 0 : index
    %get3A_5 = vector.load %arg1[%get3A_2, %get3A_3, %get3A_4] : memref<2x1024x128xf32, #tpu.memory_space<vmem>>, vector<1x1024x128xf32>
    %get3A_6 = vector.shape_cast %get3A_5 : vector<1x1024x128xf32> to vector<1024x128xf32>
    %get3A_7 = arith.constant 1 : index
    %get3A_8 = arith.constant 0 : index
    %get3A_9 = arith.constant 0 : index
    %get3A_10 = vector.load %arg1[%get3A_7, %get3A_8, %get3A_9] : memref<2x1024x128xf32, #tpu.memory_space<vmem>>, vector<1x1024x128xf32>
    %get3A_11 = vector.shape_cast %get3A_10 : vector<1x1024x128xf32> to vector<1024x128xf32>
    %add3A = arith.addf %get3A_6, %get3A_11 : vector<1024x128xf32>
    %get3A_12 = arith.constant 0 : index
    %get3A_13 = arith.constant 0 : index
    %get3A_14 = vector.load %arg2[%get3A_12, %get3A_13] : memref<1024x128xf32, #tpu.memory_space<vmem>>, vector<1024x128xf32>
    %add3A_15 = arith.addf %add3A, %get3A_14 : vector<1024x128xf32>
    %mul3A = vector.broadcast %get3A_1 : vector<1024x1xf32> to vector<1024x128xf32>
    %mul3A_16 = arith.mulf %add3A_15, %mul3A : vector<1024x128xf32>
    %get3A_17 = arith.constant 0 : index
    %get3A_18 = arith.constant 0 : index
    %get3A_19 = vector.load %arg4[%get3A_17, %get3A_18] : memref<1x128xf32, #tpu.memory_space<vmem>>, vector<1x128xf32>
    %add3A_20 = vector.broadcast %get3A_19 : vector<1x128xf32> to vector<1024x128xf32>
    %add3A_21 = arith.addf %mul3A_16, %add3A_20 : vector<1024x128xf32>
    %slice3A = vector.extract_strided_slice %add3A_21 {offsets = [0, 0], sizes = [1024, 64], strides = [1, 1]} : vector<1024x128xf32> to vector<1024x64xf32>
    %slice3A_22 = vector.extract_strided_slice %add3A_21 {offsets = [0, 64], sizes = [1024, 64], strides = [1, 1]} : vector<1024x128xf32> to vector<1024x64xf32>
    %get3A_23 = arith.constant 0 : index
    %get3A_24 = arith.constant 0 : index
    %get3A_25 = vector.load %arg5[%get3A_23, %get3A_24] : memref<1024x64xf32, #tpu.memory_space<vmem>>, vector<1024x64xf32>
    %mul3A_26 = arith.constant 5.000000e-01 : f32
    %mul3A_27 = vector.broadcast %mul3A_26 : f32 to vector<1024x64xf32>
    %mul3A_28 = arith.mulf %mul3A_27, %slice3A_22 : vector<1024x64xf32>
    %exp3A = math.exp %mul3A_28 : vector<1024x64xf32>
    %mul3A_29 = arith.mulf %get3A_25, %exp3A : vector<1024x64xf32>
    %add3A_30 = arith.addf %slice3A, %mul3A_29 : vector<1024x64xf32>
    %get3A_31 = arith.constant 0 : index
    %get3A_32 = arith.constant 0 : index
    %get3A_33 = vector.load %arg6[%get3A_31, %get3A_32] : memref<64x1xf32, #tpu.memory_space<vmem>>, vector<64x1xf32>
    %mul3A_34 = arith.mulf %get3A_33, %get3A_33 : vector<64x1xf32>
    %reduce_sum3A = vector.shape_cast %mul3A_34 : vector<64x1xf32> to vector<1x64x1xf32>
    %reduce_sum3A_35 = arith.constant dense<0.000000e+00> : vector<1xf32>
    %reduce_sum3A_36 = vector.multi_reduction <add>, %reduce_sum3A, %reduce_sum3A_35 [1, 2] : vector<1x64x1xf32> to vector<1xf32>
    %reduce_sum3A_37 = vector.shape_cast %reduce_sum3A_36 : vector<1xf32> to vector<1x1x1xf32>
    %reduce_sum3A_38 = vector.extract %reduce_sum3A_37[0, 0, 0] : f32 from vector<1x1x1xf32>
    %sqrt3A = math.sqrt %reduce_sum3A_38 : f32
    %add3A_39 = arith.constant 1.000000e-16 : f32
    %add3A_40 = arith.addf %sqrt3A, %add3A_39 : f32
    %div3A = vector.broadcast %add3A_40 : f32 to vector<64x1xf32>
    %div3A_41 = arith.divf %get3A_33, %div3A : vector<64x1xf32>
    %dot_general3A = arith.constant dense<0.000000e+00> : vector<1024x1xf32>
    %dot_general3A_42 = tpu.matmul %add3A_30, %div3A_41, %dot_general3A {dimension_numbers = #tpu.dot_dimension_numbers<[1], [0], [0], [1], [0, 0, 1, 1], [], []>, precision = #tpu.contract_precision<fp32>, transpose_lhs_hint = false} : vector<1024x64xf32>, vector<64x1xf32>, vector<1024x1xf32> -> vector<1024x1xf32>
    %mul3A_43 = arith.constant 1024 : i32
    %mul3A_44 = arith.muli %arg0, %mul3A_43 : i32
    %iota3A = tpu.iota {dimensions = array<i32: 0>} : vector<1024x1xi32>
    %add3A_45 = vector.broadcast %mul3A_44 : i32 to vector<1024x1xi32>
    %add3A_46 = arith.addi %add3A_45, %iota3A : vector<1024x1xi32>
    %lt3A = arith.constant 10000 : i32
    %lt3A_47 = vector.broadcast %lt3A : i32 to vector<1024x1xi32>
    %lt3A_48 = arith.cmpi slt, %add3A_46, %lt3A_47 : vector<1024x1xi32>
    %jit3A = arith.constant 0xFF800000 : f32
    %broadcast_in_dim3A = vector.broadcast %jit3A : f32 to vector<1024x1xf32>
    %select_n3A = arith.select %lt3A_48, %dot_general3A_42, %broadcast_in_dim3A : vector<1024x1xi1>, vector<1024x1xf32>
    %tanh3A = math.tanh %select_n3A : vector<1024x1xf32>
    %mul3A_49 = vector.broadcast %tanh3A : vector<1024x1xf32> to vector<1024x64xf32>
    %mul3A_50 = arith.mulf %add3A_30, %mul3A_49 : vector<1024x64xf32>
    %broadcast_in_dim3A_51 = arith.constant 0.000000e+00 : f32
    %broadcast_in_dim3A_52 = vector.broadcast %broadcast_in_dim3A_51 : f32 to vector<1024x64xf32>
    %concatenate3A = tpu.concatenate %mul3A_50, %slice3A, %slice3A_22, %broadcast_in_dim3A_52 in 1 : vector<1024x64xf32>, vector<1024x64xf32>, vector<1024x64xf32>, vector<1024x64xf32> -> vector<1024x256xf32>
    %swap3A = arith.constant 0 : index
    %swap3A_53 = arith.constant 0 : index
    %swap3A_54 = vector.load %arg7[%swap3A, %swap3A_53] : memref<1024x256xf32, #tpu.memory_space<vmem>>, vector<1024x256xf32>
    tpu.vector_store %arg7[%swap3A, %swap3A_53], %concatenate3A {strides = array<i32>} : memref<1024x256xf32, #tpu.memory_space<vmem>>, vector<1024x256xf32>,
    %swap3A_55 = arith.constant 0 : index
    %swap3A_56 = arith.constant 0 : index
    %swap3A_57 = vector.load %arg8[%swap3A_55, %swap3A_56] : memref<1024x1xf32, #tpu.memory_space<vmem>>, vector<1024x1xf32>
    tpu.vector_store %arg8[%swap3A_55, %swap3A_56], %select_n3A {strides = array<i32>} : memref<1024x1xf32, #tpu.memory_space<vmem>>, vector<1024x1xf32>,
    return
  }
  func.func @transform_0(%arg0: i32) -> (i32, i32, i32) {
    %c0_i32 = arith.constant 0 : i32
    %c0_i32_0 = arith.constant 0 : i32
    %c0_i32_1 = arith.constant 0 : i32
    return %c0_i32, %arg0, %c0_i32_0 : i32, i32, i32
  }
  func.func @transform_1(%arg0: i32) -> (i32, i32) {
    %c0_i32 = arith.constant 0 : i32
    %c0_i32_0 = arith.constant 0 : i32
    return %arg0, %c0_i32 : i32, i32
  }
  func.func @transform_2(%arg0: i32) -> (i32, i32) {
    %c0_i32 = arith.constant 0 : i32
    %c0_i32_0 = arith.constant 0 : i32
    return %arg0, %c0_i32 : i32, i32
  }
  func.func @transform_3(%arg0: i32) -> (i32, i32) {
    %c0_i32 = arith.constant 0 : i32
    %c0_i32_0 = arith.constant 0 : i32
    %c0_i32_1 = arith.constant 0 : i32
    return %c0_i32, %c0_i32_0 : i32, i32
  }
  func.func @transform_4(%arg0: i32) -> (i32, i32) {
    %c0_i32 = arith.constant 0 : i32
    %c0_i32_0 = arith.constant 0 : i32
    return %arg0, %c0_i32 : i32, i32
  }
  func.func @transform_5(%arg0: i32) -> (i32, i32) {
    %c0_i32 = arith.constant 0 : i32
    %c0_i32_0 = arith.constant 0 : i32
    %c0_i32_1 = arith.constant 0 : i32
    return %c0_i32, %c0_i32_0 : i32, i32
  }
  func.func @transform_6(%arg0: i32) -> (i32, i32) {
    %c0_i32 = arith.constant 0 : i32
    %c0_i32_0 = arith.constant 0 : i32
    return %arg0, %c0_i32 : i32, i32
  }
  func.func @transform_7(%arg0: i32) -> (i32, i32) {
    %c0_i32 = arith.constant 0 : i32
    %c0_i32_0 = arith.constant 0 : i32
    return %arg0, %c0_i32 : i32, i32
  }
}

module attributes {stable_mosaic.version = 14 : i64} {
  func.func @_tr_body(%arg0: i32, %arg1: memref<128x1xf32, #tpu.memory_space<vmem>>, %arg2: memref<1x1x128xf32, #tpu.memory_space<vmem>>) attributes {dimension_semantics = [#tpu.dimension_semantics<arbitrary>], iteration_bounds = array<i64: 80>, scalar_prefetch = 0 : i64, scratch_operands = 0 : i64, tpu.core_type = #tpu.core_type<tc>, window_params = [{transform_indices = @transform_0, window_bounds = array<i64: 128, 1>}, {transform_indices = @transform_1, window_bounds = array<i64: 1, 1, 128>}]} {
    %get3A = arith.constant 0 : index
    %get3A_0 = arith.constant 0 : index
    %get3A_1 = vector.load %arg1[%get3A, %get3A_0] : memref<128x1xf32, #tpu.memory_space<vmem>>, vector<128x1xf32>
    %broadcast_in_dim3A = vector.shape_cast %get3A_1 : vector<128x1xf32> to vector<128x1xf32>
    %broadcast_in_dim3A_2 = vector.broadcast %broadcast_in_dim3A : vector<128x1xf32> to vector<128x128xf32>
    %transpose3A = tpu.transpose %broadcast_in_dim3A_2, [1, 0] : vector<128x128xf32> -> vector<128x128xf32>
    %slice3A = vector.extract_strided_slice %transpose3A {offsets = [0, 0], sizes = [1, 128], strides = [1, 1]} : vector<128x128xf32> to vector<1x128xf32>
    %reshape3A = vector.shape_cast %slice3A : vector<1x128xf32> to vector<1x1x128xf32>
    %swap3A = arith.constant 0 : index
    %swap3A_3 = arith.constant 0 : index
    %swap3A_4 = arith.constant 0 : index
    %swap3A_5 = vector.load %arg2[%swap3A, %swap3A_3, %swap3A_4] : memref<1x1x128xf32, #tpu.memory_space<vmem>>, vector<1x1x128xf32>
    tpu.vector_store %arg2[%swap3A, %swap3A_3, %swap3A_4], %reshape3A {strides = array<i32>} : memref<1x1x128xf32, #tpu.memory_space<vmem>>, vector<1x1x128xf32>,
    return
  }
  func.func @transform_0(%arg0: i32) -> (i32, i32) {
    %c0_i32 = arith.constant 0 : i32
    %c0_i32_0 = arith.constant 0 : i32
    return %arg0, %c0_i32 : i32, i32
  }
  func.func @transform_1(%arg0: i32) -> (i32, i32, i32) {
    %c0_i32 = arith.constant 0 : i32
    %c0_i32_0 = arith.constant 0 : i32
    %c0_i32_1 = arith.constant 0 : i32
    return %arg0, %c0_i32, %c0_i32_0 : i32, i32, i32
  }
}

module attributes {stable_mosaic.version = 14 : i64} {
  func.func @_rank_body(%arg0: i32, %arg1: memref<128x1xf32, #tpu.memory_space<vmem>>, %arg2: memref<80x1x128xf32, #tpu.memory_space<vmem>>, %arg3: memref<128x1xi32, #tpu.memory_space<vmem>>) attributes {dimension_semantics = [#tpu.dimension_semantics<arbitrary>], iteration_bounds = array<i64: 80>, scalar_prefetch = 0 : i64, scratch_operands = 0 : i64, tpu.core_type = #tpu.core_type<tc>, window_params = [{transform_indices = @transform_0, window_bounds = array<i64: 128, 1>}, {pipeline_mode = #tpu.pipeline_mode<synchronous>, transform_indices = @transform_1, window_bounds = array<i64: 80, 1, 128>}, {transform_indices = @transform_2, window_bounds = array<i64: 128, 1>}]} {
    %get3A = arith.constant 0 : index
    %get3A_0 = arith.constant 0 : index
    %get3A_1 = vector.load %arg1[%get3A, %get3A_0] : memref<128x1xf32, #tpu.memory_space<vmem>>, vector<128x1xf32>
    %broadcast_in_dim3A = vector.shape_cast %get3A_1 : vector<128x1xf32> to vector<128x1xf32>
    %broadcast_in_dim3A_2 = vector.broadcast %broadcast_in_dim3A : vector<128x1xf32> to vector<128x128xf32>
    %iota3A = tpu.iota {dimensions = array<i32: 1>} : vector<128x128xi32>
    %iota3A_3 = tpu.iota {dimensions = array<i32: 0>} : vector<128x128xi32>
    %lt3A = arith.cmpi slt, %iota3A, %iota3A_3 : vector<128x128xi32>
    %broadcast_in_dim3A_4 = arith.constant 0 : i32
    %broadcast_in_dim3A_5 = vector.broadcast %broadcast_in_dim3A_4 : i32 to vector<128x128xi32>
    %scan3A = arith.constant 0 : i32
    %scan3A_6 = arith.constant 80 : i32
    %scan3A_7 = arith.addi %scan3A, %scan3A_6 : i32
    %scan3A_8 = arith.constant 1 : i32
    %scan3A_9 = scf.for %scan3A_26 = %scan3A to %scan3A_7 step %scan3A_8 iter_args(%scan3A_27 = %broadcast_in_dim3A_5) -> (vector<128x128xi32>)  : i32 {
      %get3A_28 = arith.index_cast %scan3A_26 : i32 to index
      %get3A_29 = arith.constant 0 : index
      %get3A_30 = arith.constant 0 : index
      %get3A_31 = vector.load %arg2[%get3A_28, %get3A_29, %get3A_30] : memref<80x1x128xf32, #tpu.memory_space<vmem>>, vector<1x1x128xf32>
      %get3A_32 = vector.shape_cast %get3A_31 : vector<1x1x128xf32> to vector<1x128xf32>
      %broadcast_in_dim3A_33 = vector.shape_cast %get3A_32 : vector<1x128xf32> to vector<1x128xf32>
      %broadcast_in_dim3A_34 = vector.broadcast %broadcast_in_dim3A_33 : vector<1x128xf32> to vector<128x128xf32>
      %gt3A = arith.cmpf ogt, %broadcast_in_dim3A_34, %broadcast_in_dim3A_2 : vector<128x128xf32>
      %eq3A = arith.cmpf oeq, %broadcast_in_dim3A_34, %broadcast_in_dim3A_2 : vector<128x128xf32>
      %lt3A_35 = arith.cmpi slt, %scan3A_26, %arg0 : i32
      %eq3A_36 = arith.cmpi eq, %scan3A_26, %arg0 : i32
      %and3A_37 = vector.broadcast %eq3A_36 : i1 to vector<128x128xi1>
      %and3A_38 = arith.andi %and3A_37, %lt3A : vector<128x128xi1>
      %or3A = vector.broadcast %lt3A_35 : i1 to vector<128x128xi1>
      %or3A_39 = arith.ori %or3A, %and3A_38 : vector<128x128xi1>
      %and3A_40 = arith.andi %eq3A, %or3A_39 : vector<128x128xi1>
      %or3A_41 = arith.ori %gt3A, %and3A_40 : vector<128x128xi1>
      %convert_element_type3A = arith.extui %or3A_41 : vector<128x128xi1> to vector<128x128xi32>
      %add3A_42 = arith.addi %scan3A_27, %convert_element_type3A : vector<128x128xi32>
      scf.yield %add3A_42 : vector<128x128xi32>
    }
    %scan3A_10 = arith.constant 80 : i32
    %reduce_sum3A = arith.constant dense<0> : vector<128xi32>
    %reduce_sum3A_11 = vector.multi_reduction <add>, %scan3A_9, %reduce_sum3A [1] : vector<128x128xi32> to vector<128xi32>
    %broadcast_in_dim3A_12 = vector.shape_cast %reduce_sum3A_11 : vector<128xi32> to vector<128x1xi32>
    %mul3A = arith.constant 128 : i32
    %mul3A_13 = arith.muli %arg0, %mul3A : i32
    %iota3A_14 = tpu.iota {dimensions = array<i32: 0>} : vector<128x1xi32>
    %add3A = vector.broadcast %mul3A_13 : i32 to vector<128x1xi32>
    %add3A_15 = arith.addi %add3A, %iota3A_14 : vector<128x1xi32>
    %lt3A_16 = arith.constant 5000 : i32
    %lt3A_17 = vector.broadcast %lt3A_16 : i32 to vector<128x1xi32>
    %lt3A_18 = arith.cmpi slt, %broadcast_in_dim3A_12, %lt3A_17 : vector<128x1xi32>
    %and3A = arith.constant 63 : i32
    %and3A_19 = vector.broadcast %and3A : i32 to vector<128x1xi32>
    %and3A_20 = arith.andi %add3A_15, %and3A_19 : vector<128x1xi32>
    %add3A_21 = arith.constant 5000 : i32
    %add3A_22 = vector.broadcast %add3A_21 : i32 to vector<128x1xi32>
    %add3A_23 = arith.addi %add3A_22, %and3A_20 : vector<128x1xi32>
    %select_n3A = arith.select %lt3A_18, %broadcast_in_dim3A_12, %add3A_23 : vector<128x1xi1>, vector<128x1xi32>
    %swap3A = arith.constant 0 : index
    %swap3A_24 = arith.constant 0 : index
    %swap3A_25 = vector.load %arg3[%swap3A, %swap3A_24] : memref<128x1xi32, #tpu.memory_space<vmem>>, vector<128x1xi32>
    tpu.vector_store %arg3[%swap3A, %swap3A_24], %select_n3A {strides = array<i32>} : memref<128x1xi32, #tpu.memory_space<vmem>>, vector<128x1xi32>,
    return
  }
  func.func @transform_0(%arg0: i32) -> (i32, i32) {
    %c0_i32 = arith.constant 0 : i32
    %c0_i32_0 = arith.constant 0 : i32
    return %arg0, %c0_i32 : i32, i32
  }
  func.func @transform_1(%arg0: i32) -> (i32, i32, i32) {
    %c0_i32 = arith.constant 0 : i32
    %c0_i32_0 = arith.constant 0 : i32
    %c0_i32_1 = arith.constant 0 : i32
    %c0_i32_2 = arith.constant 0 : i32
    return %c0_i32, %c0_i32_0, %c0_i32_1 : i32, i32, i32
  }
  func.func @transform_2(%arg0: i32) -> (i32, i32) {
    %c0_i32 = arith.constant 0 : i32
    %c0_i32_0 = arith.constant 0 : i32
    return %arg0, %c0_i32 : i32, i32
  }
}

</mosaic_0001>

<sc_bundles>
// kernel: kernel.11.cloned.1.call-start
scs
__scs_entry_jumppad:
0x0: {  	(pc) =	sbr.rel $0x88, $3  }
0x1: {  	(tag) =	ssettag $0x0;
	lr =	simm.s32 $0x1  }
0x2: {  	[smem:$0x3F96] =	sst lr;
	_ =	strace $0xD0000000  }
0x3: {  	_ = 	snop  }
0x4: {  	_ = 	snop  }
0x5: {  	_ = 	snop  }
0x6: {  	_ = 	snop  }
0x7: {  	_ = 	snop  }
__scs_overlays_trampoline_lowered:
0x8: {  	[smem:$0x3FA5] =	sst s0  }
0x9: {  	[smem:$0x3FA6] =	sst s1  }
0xa: {  	[smem:$0x3FA7] =	sst s2  }
0xb: {  	[smem:$0x3FA8] =	sst s3  }
0xc: {  	[smem:$0x3FA9] =	sst s4  }
0xd: {  	[smem:$0x3FAA] =	sst s5  }
0xe: {  	[smem:$0x3FAB] =	sst s6  }
0xf: {  	[smem:$0x3FAC] =	sst s7  }
0x10: {  	[smem:$0x3FAD] =	sst s8  }
0x11: {  	[smem:$0x3FAE] =	sst s9;
	s0 =	simm.s32 @!p0 $0x0  }
0x12: {  	s1 =	sld [smem:$0x3F94];
	s0 =	simm.s32 @p0 $0x1  }
0x13: {  	[smem:$0x3FAF] =	sst s0;
	s0 =	simm.s32 @!p1 $0x0  }
0x14: {  	s2 =	sld [smem:$0x3F93];
	s0 =	simm.s32 @p1 $0x1  }
0x15: {  	[smem:$0x3FB0] =	sst s0;
	s0 =	simm.s32 @!p2 $0x0  }
0x16: {  	s3 =	sld [smem:$0x3FDB];
	s0 =	simm.s32 @p2 $0x1  }
0x17: {  	s4 =	simm.s32 $0x1BF5;
	[smem:$0x3FB2] =	sst s0  }
0x18: {  	s0 =	sld [smem:$0x3F95];
	_ =	swait.ge [sflag:s4], $0x0  }
0x19: {  	s7 =	sld [smem:$0x3F96]  }
0x1a: {  	s8 =	sadd.s32 $0xFFFFE003, lr  }
0x1b: {  	s9 =	sadd.s32 $0xFFFFFEF7, lr;
	s5 =	simm.s32 $0xFFFFFFFF;
	p2 =	slt.u32 s8, $0xFFFFF086  }
0x1c: {  	p1 =	slt.u32 s9, $0xF7A;
	s5 =	simm.s32 @!p2 $0x0  }
0x1d: {  	s5 =	simm.s32 @p1 $0x1;
	p0 =	seq.s32 s7, s2  }
0x1e: {  	s7 =	smul.u32 @!p0 $0xF7A, s2;
	p2 =	seq.s32 @!p0 s5, $0x0  }
0x1f: {  	s9 =	smul.u32 $0xF7A, s1;
	s8 =	simm.s32 @!p0 $0x1BF5;
	p2 =	por !p2, p0  }
0x20: {  	[sflag:s8] =	ssyncset.s32 @!p0 $0xFFFFF086;
	s6 =	sadd.s32 @!p0 s3, s7;
	s7 =	simm.s32 @!p0 $0x108  }
0x21: {  	s3 =	sadd.s32 s3, s9;
	s6 =	sadd.s32 @!p0 $0x88, s6;
	s7 =	simm.s32 @p2 $0x1082  }
0x22: {  	[simem:s7], [sflag:s8] =	dma.local @!p0 [hbm:s6], $0xF7A  }
0x23: {  	s9 =	sor.u32 $0xD0000000, s2;
	s6 =	simm.s32 $0x108;
	_ =	swait.ge @!p0 [sflag:s8], $0x0  }
0x24: {  	s3 =	sadd.s32 $0x88, s3;
	s6 =	simm.s32 @!p1 $0x1082;
	[sflag:s4] =	ssyncset.s32 $0xFFFFF086  }
0x25: {  	[simem:s6], [sflag:s4] =	dma.local [hbm:s3], $0xF7A  }
0x26: {  	[smem:$0x3F96] =	sst s1;
	(tag) =	ssettag s2;
	_ =	strace s9  }
0x27: {  	s1 =	sld [smem:$0x3FA6]  }
0x28: {  	s2 =	sld [smem:$0x3FA7]  }
0x29: {  	s4 =	sld [smem:$0x3FA9]  }
0x2a: {  	p0 =	seq.s32 s5, $0x0;
	s5 =	sld [smem:$0x3FAA]  }
0x2b: {  	s6 =	sld [smem:$0x3FAB]  }
0x2c: {  	s7 =	sld [smem:$0x3FAC]  }
0x2d: {  	s3 =	simm.s32 $0x108;
	s8 =	sld [smem:$0x3FAD]  }
0x2e: {  	s3 =	simm.s32 @!p0 $0x1082;
	s9 =	sld [smem:$0x3FAE]  }
0x2f: {  	lr =	sadd.s32 s0, s3;
	s0 =	sld [smem:$0x3FA5]  }
0x30: {  	s3 =	sld [smem:$0x3FA8]  }
0x31: {  	[smem:$0x3FB1] =	sst s10  }
0x32: {  	s10 =	sld [smem:$0x3FAF];
	_ =	sdelay $0x3  }
0x33: {  	p0 =	seq.s32 s10, $0x1;
	s10 =	sld [smem:$0x3FB1];
	_ =	sdelay $0x3  }
0x34: {  	[smem:$0x3FB1] =	sst s10  }
0x35: {  	s10 =	sld [smem:$0x3FB0];
	_ =	sdelay $0x3  }
0x36: {  	p1 =	seq.s32 s10, $0x1;
	s10 =	sld [smem:$0x3FB1];
	_ =	sdelay $0x3  }
0x37: {  	[smem:$0x3FB1] =	sst s10  }
0x38: {  	s10 =	sld [smem:$0x3FB2]  }
0x39: {  	_ = 	snop;
	(pc) =	sbr.ind lr, $3  }
0x3a: {  	_ = 	snop  }
0x3b: {  	_ = 	snop  }
0x3c: {  	p2 =	seq.s32 s10, $0x1;
	s10 =	sld [smem:$0x3FB1]  }
0x3d: {  	_ =	shalt  }
0x3e: {  	_ =	shalt  }
0x3f: {  	_ =	shalt  }
0x40: {  	_ =	shalt  }
0x41: {  	_ =	shalt  }
0x42: {  	_ =	shalt  }
0x43: {  	_ =	shalt  }
0x44: {  	_ =	shalt  }
0x45: {  	_ =	shalt  }
0x46: {  	_ =	shalt  }
0x47: {  	_ =	shalt  }
0x48: {  	_ =	shalt  }
0x49: {  	_ =	shalt  }
0x4a: {  	_ =	shalt  }
0x4b: {  	_ =	shalt  }
0x4c: {  	_ =	shalt  }
0x4d: {  	_ =	shalt  }
0x4e: {  	_ =	shalt  }
0x4f: {  	_ =	shalt  }
0x50: {  	_ =	shalt  }
0x51: {  	_ =	shalt  }
0x52: {  	_ =	shalt  }
0x53: {  	_ =	shalt  }
0x54: {  	_ =	shalt  }
0x55: {  	_ =	shalt  }
0x56: {  	_ =	shalt  }
0x57: {  	_ =	shalt  }
0x58: {  	_ =	shalt  }
0x59: {  	_ =	shalt  }
0x5a: {  	_ =	shalt  }
0x5b: {  	_ =	shalt  }
0x5c: {  	_ =	shalt  }
0x5d: {  	_ =	shalt  }
0x5e: {  	_ =	shalt  }
0x5f: {  	_ =	shalt  }
0x60: {  	_ =	shalt  }
0x61: {  	_ =	shalt  }
0x62: {  	_ =	shalt  }
0x63: {  	_ =	shalt  }
0x64: {  	_ =	shalt  }
0x65: {  	_ =	shalt  }
0x66: {  	_ =	shalt  }
0x67: {  	_ =	shalt  }
0x68: {  	_ =	shalt  }
0x69: {  	_ =	shalt  }
0x6a: {  	_ =	shalt  }
0x6b: {  	_ =	shalt  }
0x6c: {  	_ =	shalt  }
0x6d: {  	_ =	shalt  }
0x6e: {  	_ =	shalt  }
0x6f: {  	_ =	shalt  }
0x70: {  	_ =	shalt  }
0x71: {  	_ =	shalt  }
0x72: {  	_ =	shalt  }
0x73: {  	_ =	shalt  }
0x74: {  	_ =	shalt  }
0x75: {  	_ =	shalt  }
0x76: {  	_ =	shalt  }
0x77: {  	_ =	shalt  }
0x78: {  	_ =	shalt  }
0x79: {  	_ =	shalt  }
0x7a: {  	_ =	shalt  }
0x7b: {  	_ =	shalt  }
0x7c: {  	_ =	shalt  }
0x7d: {  	_ =	shalt  }
0x7e: {  	_ =	shalt  }
0x7f: {  	_ =	shalt  }
0x80: {  	_ =	shalt  }
0x81: {  	_ =	shalt  }
0x82: {  	_ =	shalt  }
0x83: {  	_ =	shalt  }
0x84: {  	_ =	shalt  }
0x85: {  	_ =	shalt  }
0x86: {  	_ =	shalt  }
0x87: {  	_ =	shalt  }
.Lfunc_end0:
.L_simem_size_0:
called_computation_lowered:
.L_overlay_start_0:
0x88: {  	s2 =	sld [smem:$0x3FD9]  }
0x89: {  	s3 =	sld [smem:$0x3FFE];
	_ =	sdelay $0x1  }
0x8a: {  	s1 =	srdreg.scid  }
0x8b: {  	s0 =	sand.u32 $0x1, s1  }
0x8c: {  	s14 =	sshll.u32 s0, $0xA;
	s2 =	sadd.s32 s3, s2  }
0x8d: {  	s2 =	sadd.s32 s2, s14  }
0x8e: {  	[smem:$0x3FBD] =	sst s2  }
0x8f: {  	_ = 	snop  }
0x90: {  	s2 =	sld [smem:$0x3FD0];
	_ =	sdelay $0x2  }
0x91: {  	s15 =	simm.s32 $0xA;
	s4 =	simm.s32 $0x10  }
0x92: {  	[smem:s4], [sflag:s15] =	dma.local [hbm:s2], $0x1  }
0x93: {  	_ =	swait.eq [sflag:s15], $0x1  }
0x94: {  	[sflag:s15] =	ssyncset.done $0x0  }
0x95: {  	s16 =	sld [smem:$0x11];
	[sflag:s15] =	ssyncadd.s32 $0xFFFFFFFF  }
0x96: {  	s17 =	sld [smem:$0x12];
	(tm) =	ssettm $0x1  }
0x97: {  	s18 =	sld [smem:$0x3FFB];
	_ =	sdelay $0x3  }
0x98: {  	_ =	strace s18  }
0x99: {  	s4 =	sld [smem:$0x3FFC];
	_ =	sdelay $0x3  }
0x9a: {  	_ =	strace s4  }
0x9b: {  	s4 =	sld [smem:$0x3FFD];
	_ =	sdelay $0x3  }
0x9c: {  	_ =	strace s4  }
0x9d: {  	_ =	strace $0x8FFFFFFF  }
0x9e: {  	s19 =	sld [smem:$0x3FDB];
	_ =	sdelay $0x1  }
0x9f: {  	s5 =	simm.s32 $_scs_section_size  }
0xa0: {  	s6 =	simm.s32 $_size__tile_overlayer_lowered;
	s7 =	simm.s32 $_tile_overlayer_lowered  }
0xa1: {  	s22 =	simm.s32 $0x1BFF;
	s21 =	sshll.u32 s7, $0x1;
	s4 =	sadd.s32 s5, s19  }
0xa2: {  	s8 =	simm.s32 $0x0;
	s20 =	sshll.u32 s6, $0x1;
	s6 =	sadd.s32 s21, s4  }
0xa3: {  	[timem:s8], [sflag:s22] =	dma.local [hbm:s6], s20  }
0xa4: {  	_ =	swait.ge [sflag:s22], s20  }
0xa5: {  	s5 =	ssub.s32 $0x0, s20;
	[sflag:s22] =	ssyncset.done $0x0  }
0xa6: {  	[sflag:s22] =	ssyncadd.s32 s5;
	_ =	sdelay $0x1  }
0xa7: {  	s23 =	simm.s32 $0x1B8B  }
0xa8: {  	_ =	swait.ge [sflag:s23], $0x1  }
0xa9: {  	[sflag:s23] =	ssyncset.done $0x0  }
0xaa: {  	s25 =	simm.s32 $0x1B8E;
	s24 =	sld [smem:$0x3FFE];
	[sflag:s23] =	ssyncadd.s32 $0xFFFFFFFF  }
0xab: {  	s26 =	simm.s32 $execute0_lowered;
	[smem:$0x3FD2] =	sst s25  }
0xac: {  	s6 =	sshll.u32 s26, $0x1;
	_ =	strace $0x80000046;
	[dreg:$0x1] =	wrdreg $0xFFFFFFFF  }
0xad: {  	s28 =	simm.s32 $_size_execute0_lowered;
	s4 =	sadd.s32 s4, s6;
	[dreg:$0x0] =	wrdreg $0x0  }
0xae: {  	s6 =	sshll.u32 s28, $0x1;
	[dreg:$0x2] =	wrdreg s4  }
0xaf: {  	[dreg:$0x3] =	wrdreg s6  }
0xb0: {  	[dreg:$0x4] =	wrdreg $0xC0  }
0xb1: {  	_ =	task [dreg:s8], $0x5FFFF  }
0xb2: {  	[dreg:$0x1] =	wrdreg $0xFFFFFFFF  }
0xb3: {  	[dreg:$0x0] =	wrdreg $0x60  }
0xb4: {  	[dreg:$0x2] =	wrdreg s24  }
0xb5: {  	[dreg:$0x3] =	wrdreg s16  }
0xb6: {  	[dreg:$0x4] =	wrdreg s17  }
0xb7: {  	[dreg:$0x5] =	wrdreg $0x40800  }
0xb8: {  	[dreg:$0x6] =	wrdreg $0x9  }
0xb9: {  	_ =	task.clear_ibuf [dreg:s8], $0x7FFFF;
	_ =	strace $0x90000046  }
0xba: {  	s29 =	simm.s32 $0x9;
	_ =	strace $0x80000048  }
0xbb: {  	_ =	swait.ge [sflag:s29], $0x1  }
0xbc: {  	[sflag:s29] =	ssyncadd.s32 $0xFFFFFFFF  }
0xbd: {  	_ =	strace $0x90000048  }
0xbe: {  	_ =	sfence  }
0xbf: {  	s30 =	sld [smem:$0x0];
	_ =	sdelay $0x2  }
0xc0: {  	s31 =	sshll.u32 s1, $0xD;
	s1 =	sshrl.u32 s1, $0x2  }
0xc1: {  	s3 =	sand.u32 $0x4000, s31;
	s1 =	sadd.s32 s1, s30  }
0xc2: {  	s0 =	sor.u32 s3, s0;
	s1 =	sshll.u32 s1, $0x11  }
0xc3: {  	s0 =	sor.u32 s1, s0  }
0xc4: {  	s0 =	sadd.s32 $0x8F2B, s0  }
0xc5: {  	[sflag:s0] =	ssyncadd.remote.s32 $0x1  }
0xc6: {  	_ =	sfence.sel $0xFFFF  }
0xc7: {  	[dreg:$0x0] =	wrdreg $0xFFFFFFFF;
	(pc) =	sbr.abs _section_cstart, $3  }
0xc8: {  	[dreg:$0x1] =	wrdreg $0xFFFFFFFF  }
0xc9: {  	_ =	task.clear_ibuf [dreg:s8], $0x2FFFF;
	_ =	strace $0x9FFFFFFF  }
0xca: {  	(tm) =	ssettm $0x7FFFFFFF  }
0xcb: {  	_ =	shalt  }
tec
execute0_lowered:
.L_overlay_start_1:
0x0: {  	(tag) =	ssettag $0x1  }
0x1: {  	s4 =	rddreg [dreg:$0x0]  }
0x2: {  	s1 =	rddreg [dreg:$0x1]  }
0x3: {  	s5 =	rddreg [dreg:$0x2]  }
0x4: {  	s2 =	rddreg [dreg:$0x3]  }
0x5: {  	s0 =	rddreg [dreg:$0x4];
	s3 =	simm.s32 $0x0;
	s6 =	srdreg.scid  }
0x6: {  	s7 =	stileid.u32;
	s11 =	simm.s32 $0x0;
	[smem:$0x7FF] =	sst s3  }
0x7: {  	s6 =	sand.u32 $0x1, s6;
	s8 =	sshll.u32 s7, $0xB;
	p0 =	sne.s32 s7, $0x0  }
0x8: {  	_ =	strace $0x80000047;
	s9 =	ssub.s32 $0x2, s6;
	s4 =	sadd.s32 s8, s4  }
0x9: {  	s10 =	sshll.u32 s6, $0xF;
	s6 =	sshll.u32 s6, $0x4;
	s7 =	sshrl.u32 @!p0 s2, $0x3  }
0xa: {  	s31 =	sshrl.u32 s9, $0x1;
	s4 =	sadd.s32 s10, s4;
	s5 =	sadd.s32 s5, s6  }
0xb: {  	s10 =	simm.s32 $0x4000;
	s8 =	ssub.s32 s9, s31;
	s4 =	sadd.s32 $0x2A00, s4  }
0xc: {  	v0 =	vimm.f32 $1.000000000e+00;
	s9 =	simm.s32 $0x50;
	s6 =	smax.u32 s8, $0x1;
	s8 =	simm.s32 $0x1  }
.LBB2_1:
0xd: {  	[tilespmem:$0x4000] =	vst v0  }
0xe: {  	[tilespmem:$0x4010] =	vst v0  }
0xf: {  	[tilespmem:$0x4020] =	vst v0  }
0x10: {  	[tilespmem:$0x4030] =	vst v0  }
0x11: {  	[tilespmem:$0x4040] =	vst v0;
	s12 =	simm.s32 @!p0 $0x1C01  }
0x12: {  	[spmem:s7], [sflag:s12] =	dma.local @!p0 [hbm:s1], $0x4F0  }
0x13: {  	s12 =	simm.s32 @!p0 $0x1  }
0x14: {  	_ =	swait.ge @!p0 [sflag:s12], $0x4F0  }
0x15: {  	[sflag:s12] =	ssyncset.done @!p0 $0x0  }
0x16: {  	[sflag:s12] =	ssyncadd.s32 @!p0 $0xFFFFFB10  }
0x17: {  	[bflag:$0x0] =	sbarrier.arrive $0xFFFF  }
0x18: {  	[tilespmem:s3], [sflag:$0x1] =	stream.linear.gather [hbm4b:s4+s3], $0x3E80, $0x38;
	[tilespmem:$0x42F8] =	vst v63  }
0x19: {  	_ =	swait.ge [sflag:s8], $0x3E80  }
0x1a: {  	[sflag:s8] =	ssyncset.done $0x0  }
0x1b: {  	s31 =	simm.s32 $0x0;
	[sflag:s8] =	ssyncadd.s32 $0xFFFFC180  }
0x1c: {  	[spmem:s2] =	stream.indirect.scatter.add.f32 [tilespmem:s10], [sflag:$0x1], $0x1, s31, s9, $0xb8;
	[tilespmem:$0x42F8] =	vst v63  }
0x1d: {  	_ =	swait.ge [sflag:s8], $0x50  }
0x1e: {  	s12 =	simm.s32 $0x200;
	[sflag:s8] =	ssyncset.done $0x0  }
.LBB2_2:
0x1f: {  	s13 =	sshra.s32 s12, $0x2;
	[sflag:s8] =	ssyncadd.s32 $0xFFFFFFB0;
	p1 =	sne.s32 s12, $0xF800  }
0x20: {  	[spmem:s2] =	stream.indirect.scatter.add.f32 [tilespmem:s10], [sflag:$0x1], $0x1, s13, s9, $0xb8;
	[tilespmem:$0x42F8] =	vst v63  }
.Ltmp0:
0x21: {  	_ = 	snop;
	(pc) =	sbr.rel @p1 .LBB2_2-.Ltmp0, $4  }
0x22: {  	_ = 	snop  }
0x23: {  	s12 =	sadd.s32 $0x200, s12  }
0x24: {  	_ =	swait.ge [sflag:s8], $0x50  }
0x25: {  	[sflag:s8] =	ssyncset.done $0x0  }
0x26: {  	[sflag:s8] =	ssyncadd.s32 $0xFFFFFFB0;
	s12 =	simm.s32 @!p0 $0x1;
	s11 =	sadd.s32 $0x1, s11  }
0x27: {  	s13 =	simm.s32 @!p0 $0x20;
	s14 =	simm.s32 @!p0 $0x10;
	p1 =	sne.s32 s11, s6  }
.Ltmp1:
0x28: {  	s15 =	simm.s32 @!p0 $0x1C01;
	[bflag:$0x0] =	sbarrier.arrive $0xFFFF;
	(pc) =	sbr.rel @p1 .LBB2_1-.Ltmp1, $4  }
0x29: {  	[hbm:s5@s13], [sflag:s15] =	dma.strided @!p0 [spmem:s7@s14], $0x4F0, s12, $0x10   }
0x2a: {  	_ =	swait.ge @!p0 [sflag:s12], $0x4F0  }
0x2b: {  	[sflag:s12] =	ssyncset.done @!p0 $0x0  }
0x2c: {  	[sflag:s12] =	ssyncadd.s32 @!p0 $0xFFFFFB10  }
0x2d: {  	_ =	sfence.sel $0x180000  }
0x2e: {  	[bflag:$0x0] =	sbarrier.arrive $0xFFFF  }
0x2f: {  	_ =	strace $0x90000047  }
0x30: {  	s0 =	sadd.s32 @!p0 $0x100000, s0;
	[bflag:$0x2] =	sbarrier.arrive $0xFFFF  }
0x31: {  	[sflag:s0] =	ssyncadd.tile.s32 @!p0 $0x1;
	_ =	shalt  }
.Lfunc_end2:
_tile_overlayer_lowered:
.L_overlay_start_2:
0x32: {  	(tag) =	ssettag $0x2  }
0x33: {  	s0 =	rddreg [dreg:$0x0];
	s2 =	stileid.u32  }
0x34: {  	s1 =	rddreg [dreg:$0x1];
	p0 =	sne.s32 s2, $0x0  }
0x35: {  	s3 =	rddreg [dreg:$0x2];
	[bflag:$0x3] =	sbarrier.arrive $0xFFFF;
	s2 =	simm.s32 @!p0 $0x1C01  }
0x36: {  	[timem:s3], [sflag:s2] =	dma.local @!p0 [hbm:s0], s1  }
0x37: {  	s0 =	simm.s32 @!p0 $0x1  }
0x38: {  	_ =	swait.ge @!p0 [sflag:s0], s1  }
0x39: {  	s1 =	ssub.s32 @!p0 $0x0, s1;
	[sflag:s0] =	ssyncset.done @!p0 $0x0  }
0x3a: {  	[sflag:s0] =	ssyncadd.s32 @!p0 s1  }
0x3b: {  	[bflag:$0x3] =	sbarrier.arrive $0xFFFF  }
0x3c: {  	_ =	shalt  }

// kernel: kernel.14.cloned.1.call-start
scs
__scs_entry_jumppad:
0x0: {  	(pc) =	sbr.rel $0x88, $3  }
0x1: {  	(tag) =	ssettag $0x0;
	lr =	simm.s32 $0x1  }
0x2: {  	[smem:$0x3F96] =	sst lr;
	_ =	strace $0xD0000000  }
0x3: {  	_ = 	snop  }
0x4: {  	_ = 	snop  }
0x5: {  	_ = 	snop  }
0x6: {  	_ = 	snop  }
0x7: {  	_ = 	snop  }
__scs_overlays_trampoline_lowered:
0x8: {  	[smem:$0x3FA5] =	sst s0  }
0x9: {  	[smem:$0x3FA6] =	sst s1  }
0xa: {  	[smem:$0x3FA7] =	sst s2  }
0xb: {  	[smem:$0x3FA8] =	sst s3  }
0xc: {  	[smem:$0x3FA9] =	sst s4  }
0xd: {  	[smem:$0x3FAA] =	sst s5  }
0xe: {  	[smem:$0x3FAB] =	sst s6  }
0xf: {  	[smem:$0x3FAC] =	sst s7  }
0x10: {  	[smem:$0x3FAD] =	sst s8  }
0x11: {  	[smem:$0x3FAE] =	sst s9;
	s0 =	simm.s32 @!p0 $0x0  }
0x12: {  	s1 =	sld [smem:$0x3F94];
	s0 =	simm.s32 @p0 $0x1  }
0x13: {  	[smem:$0x3FAF] =	sst s0;
	s0 =	simm.s32 @!p1 $0x0  }
0x14: {  	s2 =	sld [smem:$0x3F93];
	s0 =	simm.s32 @p1 $0x1  }
0x15: {  	[smem:$0x3FB0] =	sst s0;
	s0 =	simm.s32 @!p2 $0x0  }
0x16: {  	s3 =	sld [smem:$0x3FDB];
	s0 =	simm.s32 @p2 $0x1  }
0x17: {  	s4 =	simm.s32 $0x1BF5;
	[smem:$0x3FB2] =	sst s0  }
0x18: {  	s0 =	sld [smem:$0x3F95];
	_ =	swait.ge [sflag:s4], $0x0  }
0x19: {  	s7 =	sld [smem:$0x3F96]  }
0x1a: {  	s8 =	sadd.s32 $0xFFFFE003, lr  }
0x1b: {  	s9 =	sadd.s32 $0xFFFFFEF7, lr;
	s5 =	simm.s32 $0xFFFFFFFF;
	p2 =	slt.u32 s8, $0xFFFFF086  }
0x1c: {  	p1 =	slt.u32 s9, $0xF7A;
	s5 =	simm.s32 @!p2 $0x0  }
0x1d: {  	s5 =	simm.s32 @p1 $0x1;
	p0 =	seq.s32 s7, s2  }
0x1e: {  	s7 =	smul.u32 @!p0 $0xF7A, s2;
	p2 =	seq.s32 @!p0 s5, $0x0  }
0x1f: {  	s9 =	smul.u32 $0xF7A, s1;
	s8 =	simm.s32 @!p0 $0x1BF5;
	p2 =	por !p2, p0  }
0x20: {  	[sflag:s8] =	ssyncset.s32 @!p0 $0xFFFFF086;
	s6 =	sadd.s32 @!p0 s3, s7;
	s7 =	simm.s32 @!p0 $0x108  }
0x21: {  	s3 =	sadd.s32 s3, s9;
	s6 =	sadd.s32 @!p0 $0x88, s6;
	s7 =	simm.s32 @p2 $0x1082  }
0x22: {  	[simem:s7], [sflag:s8] =	dma.local @!p0 [hbm:s6], $0xF7A  }
0x23: {  	s9 =	sor.u32 $0xD0000000, s2;
	s6 =	simm.s32 $0x108;
	_ =	swait.ge @!p0 [sflag:s8], $0x0  }
0x24: {  	s3 =	sadd.s32 $0x88, s3;
	s6 =	simm.s32 @!p1 $0x1082;
	[sflag:s4] =	ssyncset.s32 $0xFFFFF086  }
0x25: {  	[simem:s6], [sflag:s4] =	dma.local [hbm:s3], $0xF7A  }
0x26: {  	[smem:$0x3F96] =	sst s1;
	(tag) =	ssettag s2;
	_ =	strace s9  }
0x27: {  	s1 =	sld [smem:$0x3FA6]  }
0x28: {  	s2 =	sld [smem:$0x3FA7]  }
0x29: {  	s4 =	sld [smem:$0x3FA9]  }
0x2a: {  	p0 =	seq.s32 s5, $0x0;
	s5 =	sld [smem:$0x3FAA]  }
0x2b: {  	s6 =	sld [smem:$0x3FAB]  }
0x2c: {  	s7 =	sld [smem:$0x3FAC]  }
0x2d: {  	s3 =	simm.s32 $0x108;
	s8 =	sld [smem:$0x3FAD]  }
0x2e: {  	s3 =	simm.s32 @!p0 $0x1082;
	s9 =	sld [smem:$0x3FAE]  }
0x2f: {  	lr =	sadd.s32 s0, s3;
	s0 =	sld [smem:$0x3FA5]  }
0x30: {  	s3 =	sld [smem:$0x3FA8]  }
0x31: {  	[smem:$0x3FB1] =	sst s10  }
0x32: {  	s10 =	sld [smem:$0x3FAF];
	_ =	sdelay $0x3  }
0x33: {  	p0 =	seq.s32 s10, $0x1;
	s10 =	sld [smem:$0x3FB1];
	_ =	sdelay $0x3  }
0x34: {  	[smem:$0x3FB1] =	sst s10  }
0x35: {  	s10 =	sld [smem:$0x3FB0];
	_ =	sdelay $0x3  }
0x36: {  	p1 =	seq.s32 s10, $0x1;
	s10 =	sld [smem:$0x3FB1];
	_ =	sdelay $0x3  }
0x37: {  	[smem:$0x3FB1] =	sst s10  }
0x38: {  	s10 =	sld [smem:$0x3FB2]  }
0x39: {  	_ = 	snop;
	(pc) =	sbr.ind lr, $3  }
0x3a: {  	_ = 	snop  }
0x3b: {  	_ = 	snop  }
0x3c: {  	p2 =	seq.s32 s10, $0x1;
	s10 =	sld [smem:$0x3FB1]  }
0x3d: {  	_ =	shalt  }
0x3e: {  	_ =	shalt  }
0x3f: {  	_ =	shalt  }
0x40: {  	_ =	shalt  }
0x41: {  	_ =	shalt  }
0x42: {  	_ =	shalt  }
0x43: {  	_ =	shalt  }
0x44: {  	_ =	shalt  }
0x45: {  	_ =	shalt  }
0x46: {  	_ =	shalt  }
0x47: {  	_ =	shalt  }
0x48: {  	_ =	shalt  }
0x49: {  	_ =	shalt  }
0x4a: {  	_ =	shalt  }
0x4b: {  	_ =	shalt  }
0x4c: {  	_ =	shalt  }
0x4d: {  	_ =	shalt  }
0x4e: {  	_ =	shalt  }
0x4f: {  	_ =	shalt  }
0x50: {  	_ =	shalt  }
0x51: {  	_ =	shalt  }
0x52: {  	_ =	shalt  }
0x53: {  	_ =	shalt  }
0x54: {  	_ =	shalt  }
0x55: {  	_ =	shalt  }
0x56: {  	_ =	shalt  }
0x57: {  	_ =	shalt  }
0x58: {  	_ =	shalt  }
0x59: {  	_ =	shalt  }
0x5a: {  	_ =	shalt  }
0x5b: {  	_ =	shalt  }
0x5c: {  	_ =	shalt  }
0x5d: {  	_ =	shalt  }
0x5e: {  	_ =	shalt  }
0x5f: {  	_ =	shalt  }
0x60: {  	_ =	shalt  }
0x61: {  	_ =	shalt  }
0x62: {  	_ =	shalt  }
0x63: {  	_ =	shalt  }
0x64: {  	_ =	shalt  }
0x65: {  	_ =	shalt  }
0x66: {  	_ =	shalt  }
0x67: {  	_ =	shalt  }
0x68: {  	_ =	shalt  }
0x69: {  	_ =	shalt  }
0x6a: {  	_ =	shalt  }
0x6b: {  	_ =	shalt  }
0x6c: {  	_ =	shalt  }
0x6d: {  	_ =	shalt  }
0x6e: {  	_ =	shalt  }
0x6f: {  	_ =	shalt  }
0x70: {  	_ =	shalt  }
0x71: {  	_ =	shalt  }
0x72: {  	_ =	shalt  }
0x73: {  	_ =	shalt  }
0x74: {  	_ =	shalt  }
0x75: {  	_ =	shalt  }
0x76: {  	_ =	shalt  }
0x77: {  	_ =	shalt  }
0x78: {  	_ =	shalt  }
0x79: {  	_ =	shalt  }
0x7a: {  	_ =	shalt  }
0x7b: {  	_ =	shalt  }
0x7c: {  	_ =	shalt  }
0x7d: {  	_ =	shalt  }
0x7e: {  	_ =	shalt  }
0x7f: {  	_ =	shalt  }
0x80: {  	_ =	shalt  }
0x81: {  	_ =	shalt  }
0x82: {  	_ =	shalt  }
0x83: {  	_ =	shalt  }
0x84: {  	_ =	shalt  }
0x85: {  	_ =	shalt  }
0x86: {  	_ =	shalt  }
0x87: {  	_ =	shalt  }
.Lfunc_end0:
.L_simem_size_0:
called_computation.1_lowered:
.L_overlay_start_0:
0x88: {  	s2 =	sld [smem:$0x3FD9]  }
0x89: {  	s3 =	sld [smem:$0x3FFE];
	_ =	sdelay $0x1  }
0x8a: {  	s1 =	srdreg.scid  }
0x8b: {  	s0 =	sand.u32 $0x1, s1  }
0x8c: {  	s16 =	sshll.u32 s0, $0xA;
	s2 =	sadd.s32 s3, s2  }
0x8d: {  	s2 =	sadd.s32 s2, s16  }
0x8e: {  	[smem:$0x3FBD] =	sst s2  }
0x8f: {  	_ = 	snop  }
0x90: {  	(tm) =	ssettm $0x1  }
0x91: {  	s17 =	sld [smem:$0x3FFB];
	_ =	sdelay $0x3  }
0x92: {  	_ =	strace s17  }
0x93: {  	s2 =	sld [smem:$0x3FFC];
	_ =	sdelay $0x3  }
0x94: {  	_ =	strace s2  }
0x95: {  	s2 =	sld [smem:$0x3FFD];
	_ =	sdelay $0x3  }
0x96: {  	_ =	strace s2  }
0x97: {  	_ =	strace $0x8FFFFFFF  }
0x98: {  	s18 =	sld [smem:$0x3FDB];
	_ =	sdelay $0x1  }
0x99: {  	s19 =	simm.s32 $_scs_section_size  }
0x9a: {  	s4 =	simm.s32 $_size__tile_overlayer_lowered;
	s5 =	simm.s32 $_tile_overlayer_lowered  }
0x9b: {  	s22 =	simm.s32 $0x1BFF;
	s21 =	sshll.u32 s5, $0x1;
	s2 =	sadd.s32 s19, s18  }
0x9c: {  	s6 =	simm.s32 $0x0;
	s20 =	sshll.u32 s4, $0x1;
	s4 =	sadd.s32 s21, s2  }
0x9d: {  	[timem:s6], [sflag:s22] =	dma.local [hbm:s4], s20  }
0x9e: {  	_ =	swait.ge [sflag:s22], s20  }
0x9f: {  	s3 =	ssub.s32 $0x0, s20;
	[sflag:s22] =	ssyncset.done $0x0  }
0xa0: {  	[sflag:s22] =	ssyncadd.s32 s3;
	_ =	sdelay $0x1  }
0xa1: {  	s23 =	simm.s32 $0x1B8B  }
0xa2: {  	_ =	swait.ge [sflag:s23], $0x1  }
0xa3: {  	[sflag:s23] =	ssyncset.done $0x0  }
0xa4: {  	s25 =	simm.s32 $0x1B8E;
	s24 =	sld [smem:$0x3FFE];
	[sflag:s23] =	ssyncadd.s32 $0xFFFFFFFF  }
0xa5: {  	s26 =	simm.s32 $execute0_lowered;
	[smem:$0x3FD2] =	sst s25  }
0xa6: {  	s4 =	sshll.u32 s26, $0x1;
	_ =	strace $0x80000049;
	[dreg:$0x1] =	wrdreg $0xFFFFFFFF  }
0xa7: {  	s28 =	simm.s32 $_size_execute0_lowered;
	s2 =	sadd.s32 s2, s4;
	[dreg:$0x0] =	wrdreg $0x0  }
0xa8: {  	s4 =	sshll.u32 s28, $0x1;
	[dreg:$0x2] =	wrdreg s2  }
0xa9: {  	[dreg:$0x3] =	wrdreg s4  }
0xaa: {  	[dreg:$0x4] =	wrdreg $0xC0  }
0xab: {  	_ =	task [dreg:s6], $0x5FFFF  }
0xac: {  	[dreg:$0x1] =	wrdreg $0xFFFFFFFF  }
0xad: {  	[dreg:$0x0] =	wrdreg $0x60  }
0xae: {  	[dreg:$0x2] =	wrdreg s24  }
0xaf: {  	[dreg:$0x3] =	wrdreg $0xA8000  }
0xb0: {  	[dreg:$0x4] =	wrdreg $0x9  }
0xb1: {  	_ =	task.clear_ibuf [dreg:s6], $0x5FFFF;
	_ =	strace $0x90000049  }
0xb2: {  	s29 =	simm.s32 $0x9;
	_ =	strace $0x8000004B  }
0xb3: {  	_ =	swait.ge [sflag:s29], $0x1  }
0xb4: {  	[sflag:s29] =	ssyncadd.s32 $0xFFFFFFFF  }
0xb5: {  	_ =	strace $0x9000004B  }
0xb6: {  	_ =	sfence  }
0xb7: {  	s30 =	sld [smem:$0x0];
	_ =	sdelay $0x2  }
0xb8: {  	s31 =	sshll.u32 s1, $0xD;
	s1 =	sshrl.u32 s1, $0x2  }
0xb9: {  	s3 =	sand.u32 $0x4000, s31;
	s1 =	sadd.s32 s1, s30  }
0xba: {  	s0 =	sor.u32 s3, s0;
	s1 =	sshll.u32 s1, $0x11  }
0xbb: {  	s0 =	sor.u32 s1, s0  }
0xbc: {  	s0 =	sadd.s32 $0x8F2B, s0  }
0xbd: {  	[sflag:s0] =	ssyncadd.remote.s32 $0x1  }
0xbe: {  	_ =	sfence.sel $0xFFFF  }
0xbf: {  	[dreg:$0x0] =	wrdreg $0xFFFFFFFF;
	(pc) =	sbr.abs _section_cstart, $3  }
0xc0: {  	[dreg:$0x1] =	wrdreg $0xFFFFFFFF  }
0xc1: {  	_ =	task.clear_ibuf [dreg:s6], $0x2FFFF;
	_ =	strace $0x9FFFFFFF  }
0xc2: {  	(tm) =	ssettm $0x7FFFFFFF  }
0xc3: {  	_ =	shalt  }
tec
execute0_lowered:
.L_overlay_start_1:
0x0: {  	(tag) =	ssettag $0x1  }
0x1: {  	s5 =	rddreg [dreg:$0x0]  }
0x2: {  	s1 =	rddreg [dreg:$0x1]  }
0x3: {  	s0 =	rddreg [dreg:$0x2];
	s2 =	simm.s32 $0x0;
	s3 =	srdreg.scid  }
0x4: {  	s7 =	stileid.u32;
	s12 =	simm.s32 $0x50;
	s13 =	simm.s32 $0x8000  }
0x5: {  	s14 =	simm.s32 $0x1;
	s15 =	simm.s32 $0x0;
	[smem:$0x7FF] =	sst s2  }
0x6: {  	s3 =	sand.u32 $0x1, s3;
	s6 =	sshll.u32 s7, $0xB;
	p0 =	sne.s32 s7, $0x0  }
0x7: {  	_ =	strace $0x8000004A;
	s4 =	sshll.u32 s3, $0xF;
	s31 =	smul.u32 $0x27100, s3  }
0x8: {  	s8 =	ssub.s32 $0x2, s3;
	s3 =	sadd.s32 $0x22A00, s5;
	s4 =	sor.u32 s6, s4  }
0x9: {  	s10 =	sshrl.u32 s8, $0x1;
	s9 =	sadd.s32 s4, s5;
	s4 =	sadd.s32 $0x49C00, s5  }
0xa: {  	s11 =	sadd.s32 s31, s5;
	s8 =	ssub.s32 s8, s10;
	s10 =	simm.s32 $0x2  }
0xb: {  	s5 =	sadd.s32 $0x12A00, s9;
	s6 =	sadd.s32 $0x2A00, s9;
	s7 =	sadd.s32 $0x70E00, s11  }
0xc: {  	s8 =	smax.u32 s8, $0x1;
	s9 =	sshrl.u32 @!p0 s1, $0x3;
	s11 =	simm.s32 $0x4000  }
.LBB2_1:
0xd: {  	s16 =	simm.s32 @!p0 $0x1C02  }
0xe: {  	[spmem:s9], [sflag:s16] =	dma.local @!p0 [hbm:s4], $0x27100  }
0xf: {  	s16 =	simm.s32 @!p0 $0x2  }
0x10: {  	_ =	swait.ge @!p0 [sflag:s16], $0x27100  }
0x11: {  	[sflag:s16] =	ssyncset.done @!p0 $0x0  }
0x12: {  	[sflag:s16] =	ssyncadd.s32 @!p0 $0xFFFD8F00  }
0x13: {  	[bflag:$0x0] =	sbarrier.arrive $0xFFFF  }
0x14: {  	[tilespmem:s2], [sflag:$0x2] =	stream.linear.gather [hbm4b:s5+s2], $0x3E80, $0x38;
	[tilespmem:$0x1E080] =	vst v63  }
0x15: {  	_ =	swait.ge [sflag:s10], $0x3E80  }
0x16: {  	[sflag:s10] =	ssyncset.done $0x0  }
0x17: {  	[sflag:s10] =	ssyncadd.s32 $0xFFFFC180  }
0x18: {  	[tilespmem:s11], [sflag:$0x2] =	stream.linear.gather [hbm4b:s6+s2], $0x3E80, $0x38;
	[tilespmem:$0x1E080] =	vst v63  }
0x19: {  	_ =	swait.ge [sflag:s10], $0x3E80  }
0x1a: {  	[sflag:s10] =	ssyncset.done $0x0  }
0x1b: {  	s30 =	simm.s32 $0x0;
	[sflag:s10] =	ssyncadd.s32 $0xFFFFC180  }
0x1c: {  	[tilespmem:s13], [sflag:$0x1] =	stream.indirect.gather [hbm4b:s3+s12], $0x80, s30, s12, $0xb8;
	[tilespmem:$0x1E080] =	vst v63  }
0x1d: {  	_ =	swait.ge [sflag:s14], $0x2800  }
0x1e: {  	[sflag:s14] =	ssyncset.done $0x0  }
0x1f: {  	s31 =	simm.s32 $0x4000;
	[sflag:s14] =	ssyncadd.s32 $0xFFFFD800  }
0x20: {  	[spmem:s1] =	stream.indirect.scatter.add.f32 [tilespmem:s13], [sflag:$0x2], $0x80, s31, s12, $0xb8;
	[tilespmem:$0x1E080] =	vst v63  }
0x21: {  	_ =	swait.ge [sflag:s10], $0x2800  }
0x22: {  	s17 =	simm.s32 $0x400;
	s16 =	simm.s32 $0x200;
	[sflag:s10] =	ssyncset.done $0x0  }
.LBB2_2:
0x23: {  	s18 =	sshra.s32 s16, $0x2  }
0x24: {  	[sflag:s10] =	ssyncadd.s32 $0xFFFFD800;
	s16 =	smov.u32 s17;
	s19 =	sadd.s32 $0x200, s17  }
0x25: {  	[tilespmem:s13], [sflag:$0x1] =	stream.indirect.gather [hbm4b:s3+s12], $0x80, s18, s12, $0xb8;
	[tilespmem:$0x1E080] =	vst v63  }
0x26: {  	p1 =	sne.s32 s17, $0xF800;
	_ =	swait.ge [sflag:s14], $0x2800  }
.Ltmp0:
0x27: {  	[sflag:s14] =	ssyncset.done $0x0;
	(pc) =	sbr.rel @p1 .LBB2_2-.Ltmp0, $4  }
0x28: {  	s17 =	sadd.s32 $0x4000, s18;
	[sflag:s14] =	ssyncadd.s32 $0xFFFFD800  }
0x29: {  	[spmem:s1] =	stream.indirect.scatter.add.f32 [tilespmem:s13], [sflag:$0x2], $0x80, s17, s12, $0xb8;
	[tilespmem:$0x1E080] =	vst v63  }
0x2a: {  	_ =	swait.ge [sflag:s10], $0x2800  }
0x2b: {  	s17 =	smov.u32 s19;
	[sflag:s10] =	ssyncset.done $0x0  }
0x2c: {  	s16 =	sshra.s32 s16, $0x2;
	[sflag:s10] =	ssyncadd.s32 $0xFFFFD800  }
0x2d: {  	[tilespmem:s13], [sflag:$0x1] =	stream.indirect.gather [hbm4b:s3+s12], $0x80, s16, s12, $0xb8;
	[tilespmem:$0x1E080] =	vst v63  }
0x2e: {  	_ =	swait.ge [sflag:s14], $0x2800  }
0x2f: {  	[sflag:s14] =	ssyncset.done $0x0  }
0x30: {  	s16 =	sadd.s32 $0x4000, s16;
	[sflag:s14] =	ssyncadd.s32 $0xFFFFD800  }
0x31: {  	[spmem:s1] =	stream.indirect.scatter.add.f32 [tilespmem:s13], [sflag:$0x2], $0x80, s16, s12, $0xb8;
	[tilespmem:$0x1E080] =	vst v63  }
0x32: {  	_ =	swait.ge [sflag:s10], $0x2800  }
0x33: {  	[sflag:s10] =	ssyncset.done $0x0  }
0x34: {  	s15 =	sadd.s32 $0x1, s15;
	[sflag:s10] =	ssyncadd.s32 $0xFFFFD800  }
0x35: {  	p1 =	sne.s32 s15, s8;
	s16 =	simm.s32 @!p0 $0x1C02;
	[bflag:$0x0] =	sbarrier.arrive $0xFFFF  }
0x36: {  	[hbm:s7], [sflag:s16] =	dma.local @!p0 [spmem:s9], $0x27100  }
.Ltmp1:
0x37: {  	_ = 	snop;
	(pc) =	sbr.rel @p1 .LBB2_1-.Ltmp1, $4  }
0x38: {  	s16 =	simm.s32 @!p0 $0x2  }
0x39: {  	_ =	swait.ge @!p0 [sflag:s16], $0x27100  }
0x3a: {  	[sflag:s16] =	ssyncset.done @!p0 $0x0  }
0x3b: {  	[sflag:s16] =	ssyncadd.s32 @!p0 $0xFFFD8F00  }
0x3c: {  	_ =	sfence.sel $0x180000  }
0x3d: {  	[bflag:$0x0] =	sbarrier.arrive $0xFFFF  }
0x3e: {  	_ =	strace $0x9000004A  }
0x3f: {  	s0 =	sadd.s32 @!p0 $0x100000, s0;
	[bflag:$0x2] =	sbarrier.arrive $0xFFFF  }
0x40: {  	[sflag:s0] =	ssyncadd.tile.s32 @!p0 $0x1;
	_ =	shalt  }
.Lfunc_end2:
_tile_overlayer_lowered:
.L_overlay_start_2:
0x41: {  	(tag) =	ssettag $0x2  }
0x42: {  	s0 =	rddreg [dreg:$0x0];
	s2 =	stileid.u32  }
0x43: {  	s1 =	rddreg [dreg:$0x1];
	p0 =	sne.s32 s2, $0x0  }
0x44: {  	s3 =	rddreg [dreg:$0x2];
	[bflag:$0x3] =	sbarrier.arrive $0xFFFF;
	s2 =	simm.s32 @!p0 $0x1C02  }
0x45: {  	[timem:s3], [sflag:s2] =	dma.local @!p0 [hbm:s0], s1  }
0x46: {  	s0 =	simm.s32 @!p0 $0x2  }
0x47: {  	_ =	swait.ge @!p0 [sflag:s0], s1  }
0x48: {  	s1 =	ssub.s32 @!p0 $0x0, s1;
	[sflag:s0] =	ssyncset.done @!p0 $0x0  }
0x49: {  	[sflag:s0] =	ssyncadd.s32 @!p0 s1  }
0x4a: {  	[bflag:$0x3] =	sbarrier.arrive $0xFFFF  }
0x4b: {  	_ =	shalt  }

// kernel: kernel.17.cloned.1.call-start
scs
__scs_entry_jumppad:
0x0: {  	(pc) =	sbr.rel $0x88, $3  }
0x1: {  	(tag) =	ssettag $0x0;
	lr =	simm.s32 $0x1  }
0x2: {  	[smem:$0x3F96] =	sst lr;
	_ =	strace $0xD0000000  }
0x3: {  	_ = 	snop  }
0x4: {  	_ = 	snop  }
0x5: {  	_ = 	snop  }
0x6: {  	_ = 	snop  }
0x7: {  	_ = 	snop  }
__scs_overlays_trampoline_lowered:
0x8: {  	[smem:$0x3FA5] =	sst s0  }
0x9: {  	[smem:$0x3FA6] =	sst s1  }
0xa: {  	[smem:$0x3FA7] =	sst s2  }
0xb: {  	[smem:$0x3FA8] =	sst s3  }
0xc: {  	[smem:$0x3FA9] =	sst s4  }
0xd: {  	[smem:$0x3FAA] =	sst s5  }
0xe: {  	[smem:$0x3FAB] =	sst s6  }
0xf: {  	[smem:$0x3FAC] =	sst s7  }
0x10: {  	[smem:$0x3FAD] =	sst s8  }
0x11: {  	[smem:$0x3FAE] =	sst s9;
	s0 =	simm.s32 @!p0 $0x0  }
0x12: {  	s1 =	sld [smem:$0x3F94];
	s0 =	simm.s32 @p0 $0x1  }
0x13: {  	[smem:$0x3FAF] =	sst s0;
	s0 =	simm.s32 @!p1 $0x0  }
0x14: {  	s2 =	sld [smem:$0x3F93];
	s0 =	simm.s32 @p1 $0x1  }
0x15: {  	[smem:$0x3FB0] =	sst s0;
	s0 =	simm.s32 @!p2 $0x0  }
0x16: {  	s3 =	sld [smem:$0x3FDB];
	s0 =	simm.s32 @p2 $0x1  }
0x17: {  	s4 =	simm.s32 $0x1BF5;
	[smem:$0x3FB2] =	sst s0  }
0x18: {  	s0 =	sld [smem:$0x3F95];
	_ =	swait.ge [sflag:s4], $0x0  }
0x19: {  	s7 =	sld [smem:$0x3F96]  }
0x1a: {  	s8 =	sadd.s32 $0xFFFFE003, lr  }
0x1b: {  	s9 =	sadd.s32 $0xFFFFFEF7, lr;
	s5 =	simm.s32 $0xFFFFFFFF;
	p2 =	slt.u32 s8, $0xFFFFF086  }
0x1c: {  	p1 =	slt.u32 s9, $0xF7A;
	s5 =	simm.s32 @!p2 $0x0  }
0x1d: {  	s5 =	simm.s32 @p1 $0x1;
	p0 =	seq.s32 s7, s2  }
0x1e: {  	s7 =	smul.u32 @!p0 $0xF7A, s2;
	p2 =	seq.s32 @!p0 s5, $0x0  }
0x1f: {  	s9 =	smul.u32 $0xF7A, s1;
	s8 =	simm.s32 @!p0 $0x1BF5;
	p2 =	por !p2, p0  }
0x20: {  	[sflag:s8] =	ssyncset.s32 @!p0 $0xFFFFF086;
	s6 =	sadd.s32 @!p0 s3, s7;
	s7 =	simm.s32 @!p0 $0x108  }
0x21: {  	s3 =	sadd.s32 s3, s9;
	s6 =	sadd.s32 @!p0 $0x88, s6;
	s7 =	simm.s32 @p2 $0x1082  }
0x22: {  	[simem:s7], [sflag:s8] =	dma.local @!p0 [hbm:s6], $0xF7A  }
0x23: {  	s9 =	sor.u32 $0xD0000000, s2;
	s6 =	simm.s32 $0x108;
	_ =	swait.ge @!p0 [sflag:s8], $0x0  }
0x24: {  	s3 =	sadd.s32 $0x88, s3;
	s6 =	simm.s32 @!p1 $0x1082;
	[sflag:s4] =	ssyncset.s32 $0xFFFFF086  }
0x25: {  	[simem:s6], [sflag:s4] =	dma.local [hbm:s3], $0xF7A  }
0x26: {  	[smem:$0x3F96] =	sst s1;
	(tag) =	ssettag s2;
	_ =	strace s9  }
0x27: {  	s1 =	sld [smem:$0x3FA6]  }
0x28: {  	s2 =	sld [smem:$0x3FA7]  }
0x29: {  	s4 =	sld [smem:$0x3FA9]  }
0x2a: {  	p0 =	seq.s32 s5, $0x0;
	s5 =	sld [smem:$0x3FAA]  }
0x2b: {  	s6 =	sld [smem:$0x3FAB]  }
0x2c: {  	s7 =	sld [smem:$0x3FAC]  }
0x2d: {  	s3 =	simm.s32 $0x108;
	s8 =	sld [smem:$0x3FAD]  }
0x2e: {  	s3 =	simm.s32 @!p0 $0x1082;
	s9 =	sld [smem:$0x3FAE]  }
0x2f: {  	lr =	sadd.s32 s0, s3;
	s0 =	sld [smem:$0x3FA5]  }
0x30: {  	s3 =	sld [smem:$0x3FA8]  }
0x31: {  	[smem:$0x3FB1] =	sst s10  }
0x32: {  	s10 =	sld [smem:$0x3FAF];
	_ =	sdelay $0x3  }
0x33: {  	p0 =	seq.s32 s10, $0x1;
	s10 =	sld [smem:$0x3FB1];
	_ =	sdelay $0x3  }
0x34: {  	[smem:$0x3FB1] =	sst s10  }
0x35: {  	s10 =	sld [smem:$0x3FB0];
	_ =	sdelay $0x3  }
0x36: {  	p1 =	seq.s32 s10, $0x1;
	s10 =	sld [smem:$0x3FB1];
	_ =	sdelay $0x3  }
0x37: {  	[smem:$0x3FB1] =	sst s10  }
0x38: {  	s10 =	sld [smem:$0x3FB2]  }
0x39: {  	_ = 	snop;
	(pc) =	sbr.ind lr, $3  }
0x3a: {  	_ = 	snop  }
0x3b: {  	_ = 	snop  }
0x3c: {  	p2 =	seq.s32 s10, $0x1;
	s10 =	sld [smem:$0x3FB1]  }
0x3d: {  	_ =	shalt  }
0x3e: {  	_ =	shalt  }
0x3f: {  	_ =	shalt  }
0x40: {  	_ =	shalt  }
0x41: {  	_ =	shalt  }
0x42: {  	_ =	shalt  }
0x43: {  	_ =	shalt  }
0x44: {  	_ =	shalt  }
0x45: {  	_ =	shalt  }
0x46: {  	_ =	shalt  }
0x47: {  	_ =	shalt  }
0x48: {  	_ =	shalt  }
0x49: {  	_ =	shalt  }
0x4a: {  	_ =	shalt  }
0x4b: {  	_ =	shalt  }
0x4c: {  	_ =	shalt  }
0x4d: {  	_ =	shalt  }
0x4e: {  	_ =	shalt  }
0x4f: {  	_ =	shalt  }
0x50: {  	_ =	shalt  }
0x51: {  	_ =	shalt  }
0x52: {  	_ =	shalt  }
0x53: {  	_ =	shalt  }
0x54: {  	_ =	shalt  }
0x55: {  	_ =	shalt  }
0x56: {  	_ =	shalt  }
0x57: {  	_ =	shalt  }
0x58: {  	_ =	shalt  }
0x59: {  	_ =	shalt  }
0x5a: {  	_ =	shalt  }
0x5b: {  	_ =	shalt  }
0x5c: {  	_ =	shalt  }
0x5d: {  	_ =	shalt  }
0x5e: {  	_ =	shalt  }
0x5f: {  	_ =	shalt  }
0x60: {  	_ =	shalt  }
0x61: {  	_ =	shalt  }
0x62: {  	_ =	shalt  }
0x63: {  	_ =	shalt  }
0x64: {  	_ =	shalt  }
0x65: {  	_ =	shalt  }
0x66: {  	_ =	shalt  }
0x67: {  	_ =	shalt  }
0x68: {  	_ =	shalt  }
0x69: {  	_ =	shalt  }
0x6a: {  	_ =	shalt  }
0x6b: {  	_ =	shalt  }
0x6c: {  	_ =	shalt  }
0x6d: {  	_ =	shalt  }
0x6e: {  	_ =	shalt  }
0x6f: {  	_ =	shalt  }
0x70: {  	_ =	shalt  }
0x71: {  	_ =	shalt  }
0x72: {  	_ =	shalt  }
0x73: {  	_ =	shalt  }
0x74: {  	_ =	shalt  }
0x75: {  	_ =	shalt  }
0x76: {  	_ =	shalt  }
0x77: {  	_ =	shalt  }
0x78: {  	_ =	shalt  }
0x79: {  	_ =	shalt  }
0x7a: {  	_ =	shalt  }
0x7b: {  	_ =	shalt  }
0x7c: {  	_ =	shalt  }
0x7d: {  	_ =	shalt  }
0x7e: {  	_ =	shalt  }
0x7f: {  	_ =	shalt  }
0x80: {  	_ =	shalt  }
0x81: {  	_ =	shalt  }
0x82: {  	_ =	shalt  }
0x83: {  	_ =	shalt  }
0x84: {  	_ =	shalt  }
0x85: {  	_ =	shalt  }
0x86: {  	_ =	shalt  }
0x87: {  	_ =	shalt  }
.Lfunc_end0:
.L_simem_size_0:
called_computation.2_lowered:
.L_overlay_start_0:
0x88: {  	s2 =	sld [smem:$0x3FD9]  }
0x89: {  	s3 =	sld [smem:$0x3FFE];
	_ =	sdelay $0x1  }
0x8a: {  	s1 =	srdreg.scid  }
0x8b: {  	s0 =	sand.u32 $0x1, s1  }
0x8c: {  	s16 =	sshll.u32 s0, $0xA;
	s2 =	sadd.s32 s3, s2  }
0x8d: {  	s2 =	sadd.s32 s2, s16  }
0x8e: {  	[smem:$0x3FBD] =	sst s2  }
0x8f: {  	_ = 	snop  }
0x90: {  	(tm) =	ssettm $0x1  }
0x91: {  	s17 =	sld [smem:$0x3FFB];
	_ =	sdelay $0x3  }
0x92: {  	_ =	strace s17  }
0x93: {  	s2 =	sld [smem:$0x3FFC];
	_ =	sdelay $0x3  }
0x94: {  	_ =	strace s2  }
0x95: {  	s2 =	sld [smem:$0x3FFD];
	_ =	sdelay $0x3  }
0x96: {  	_ =	strace s2  }
0x97: {  	_ =	strace $0x8FFFFFFF  }
0x98: {  	s18 =	sld [smem:$0x3FDB];
	_ =	sdelay $0x1  }
0x99: {  	s19 =	simm.s32 $_scs_section_size  }
0x9a: {  	s4 =	simm.s32 $_size__tile_overlayer_lowered;
	s5 =	simm.s32 $_tile_overlayer_lowered  }
0x9b: {  	s22 =	simm.s32 $0x1BFF;
	s21 =	sshll.u32 s5, $0x1;
	s2 =	sadd.s32 s19, s18  }
0x9c: {  	s6 =	simm.s32 $0x0;
	s20 =	sshll.u32 s4, $0x1;
	s4 =	sadd.s32 s21, s2  }
0x9d: {  	[timem:s6], [sflag:s22] =	dma.local [hbm:s4], s20  }
0x9e: {  	_ =	swait.ge [sflag:s22], s20  }
0x9f: {  	s3 =	ssub.s32 $0x0, s20;
	[sflag:s22] =	ssyncset.done $0x0  }
0xa0: {  	[sflag:s22] =	ssyncadd.s32 s3;
	_ =	sdelay $0x1  }
0xa1: {  	s23 =	simm.s32 $0x1B8B  }
0xa2: {  	_ =	swait.ge [sflag:s23], $0x1  }
0xa3: {  	[sflag:s23] =	ssyncset.done $0x0  }
0xa4: {  	s25 =	simm.s32 $0x1B8E;
	s24 =	sld [smem:$0x3FFE];
	[sflag:s23] =	ssyncadd.s32 $0xFFFFFFFF  }
0xa5: {  	s26 =	simm.s32 $execute0_lowered;
	[smem:$0x3FD2] =	sst s25  }
0xa6: {  	s4 =	sshll.u32 s26, $0x1;
	_ =	strace $0x8000004C;
	[dreg:$0x1] =	wrdreg $0xFFFFFFFF  }
0xa7: {  	s28 =	simm.s32 $_size_execute0_lowered;
	s2 =	sadd.s32 s2, s4;
	[dreg:$0x0] =	wrdreg $0x0  }
0xa8: {  	s4 =	sshll.u32 s28, $0x1;
	[dreg:$0x2] =	wrdreg s2  }
0xa9: {  	[dreg:$0x3] =	wrdreg s4  }
0xaa: {  	[dreg:$0x4] =	wrdreg $0xC0  }
0xab: {  	_ =	task [dreg:s6], $0x5FFFF  }
0xac: {  	[dreg:$0x1] =	wrdreg $0xFFFFFFFF  }
0xad: {  	[dreg:$0x0] =	wrdreg $0x60  }
0xae: {  	[dreg:$0x2] =	wrdreg s24  }
0xaf: {  	[dreg:$0x3] =	wrdreg $0xA8000  }
0xb0: {  	[dreg:$0x4] =	wrdreg $0x9  }
0xb1: {  	_ =	task.clear_ibuf [dreg:s6], $0x5FFFF;
	_ =	strace $0x9000004C  }
0xb2: {  	s29 =	simm.s32 $0x9;
	_ =	strace $0x8000004E  }
0xb3: {  	_ =	swait.ge [sflag:s29], $0x1  }
0xb4: {  	[sflag:s29] =	ssyncadd.s32 $0xFFFFFFFF  }
0xb5: {  	_ =	strace $0x9000004E  }
0xb6: {  	_ =	sfence  }
0xb7: {  	s30 =	sld [smem:$0x0];
	_ =	sdelay $0x2  }
0xb8: {  	s31 =	sshll.u32 s1, $0xD;
	s1 =	sshrl.u32 s1, $0x2  }
0xb9: {  	s3 =	sand.u32 $0x4000, s31;
	s1 =	sadd.s32 s1, s30  }
0xba: {  	s0 =	sor.u32 s3, s0;
	s1 =	sshll.u32 s1, $0x11  }
0xbb: {  	s0 =	sor.u32 s1, s0  }
0xbc: {  	s0 =	sadd.s32 $0x8F2B, s0  }
0xbd: {  	[sflag:s0] =	ssyncadd.remote.s32 $0x1  }
0xbe: {  	_ =	sfence.sel $0xFFFF  }
0xbf: {  	[dreg:$0x0] =	wrdreg $0xFFFFFFFF;
	(pc) =	sbr.abs _section_cstart, $3  }
0xc0: {  	[dreg:$0x1] =	wrdreg $0xFFFFFFFF  }
0xc1: {  	_ =	task.clear_ibuf [dreg:s6], $0x2FFFF;
	_ =	strace $0x9FFFFFFF  }
0xc2: {  	(tm) =	ssettm $0x7FFFFFFF  }
0xc3: {  	_ =	shalt  }
tec
execute0_lowered:
.L_overlay_start_1:
0x0: {  	(tag) =	ssettag $0x1  }
0x1: {  	s5 =	rddreg [dreg:$0x0]  }
0x2: {  	s1 =	rddreg [dreg:$0x1]  }
0x3: {  	s0 =	rddreg [dreg:$0x2];
	s2 =	simm.s32 $0x0;
	s3 =	srdreg.scid  }
0x4: {  	s7 =	stileid.u32;
	s12 =	simm.s32 $0x50;
	s13 =	simm.s32 $0x8000  }
0x5: {  	s14 =	simm.s32 $0x1;
	s15 =	simm.s32 $0x0;
	[smem:$0x7FF] =	sst s2  }
0x6: {  	s3 =	sand.u32 $0x1, s3;
	s6 =	sshll.u32 s7, $0xB;
	p0 =	sne.s32 s7, $0x0  }
0x7: {  	_ =	strace $0x8000004D;
	s4 =	sshll.u32 s3, $0xF;
	s31 =	smul.u32 $0x27100, s3  }
0x8: {  	s8 =	ssub.s32 $0x2, s3;
	s3 =	sadd.s32 $0x22A00, s5;
	s4 =	sor.u32 s6, s4  }
0x9: {  	s10 =	sshrl.u32 s8, $0x1;
	s9 =	sadd.s32 s4, s5;
	s4 =	sadd.s32 $0x49C00, s5  }
0xa: {  	s11 =	sadd.s32 s31, s5;
	s8 =	ssub.s32 s8, s10;
	s10 =	simm.s32 $0x2  }
0xb: {  	s5 =	sadd.s32 $0x12A00, s9;
	s6 =	sadd.s32 $0x2A00, s9;
	s7 =	sadd.s32 $0x70E00, s11  }
0xc: {  	s8 =	smax.u32 s8, $0x1;
	s9 =	sshrl.u32 @!p0 s1, $0x3;
	s11 =	simm.s32 $0x4000  }
.LBB2_1:
0xd: {  	s16 =	simm.s32 @!p0 $0x1C02  }
0xe: {  	[spmem:s9], [sflag:s16] =	dma.local @!p0 [hbm:s4], $0x27100  }
0xf: {  	s16 =	simm.s32 @!p0 $0x2  }
0x10: {  	_ =	swait.ge @!p0 [sflag:s16], $0x27100  }
0x11: {  	[sflag:s16] =	ssyncset.done @!p0 $0x0  }
0x12: {  	[sflag:s16] =	ssyncadd.s32 @!p0 $0xFFFD8F00  }
0x13: {  	[bflag:$0x0] =	sbarrier.arrive $0xFFFF  }
0x14: {  	[tilespmem:s2], [sflag:$0x2] =	stream.linear.gather [hbm4b:s5+s2], $0x3E80, $0x38;
	[tilespmem:$0x1E080] =	vst v63  }
0x15: {  	_ =	swait.ge [sflag:s10], $0x3E80  }
0x16: {  	[sflag:s10] =	ssyncset.done $0x0  }
0x17: {  	[sflag:s10] =	ssyncadd.s32 $0xFFFFC180  }
0x18: {  	[tilespmem:s11], [sflag:$0x2] =	stream.linear.gather [hbm4b:s6+s2], $0x3E80, $0x38;
	[tilespmem:$0x1E080] =	vst v63  }
0x19: {  	_ =	swait.ge [sflag:s10], $0x3E80  }
0x1a: {  	[sflag:s10] =	ssyncset.done $0x0  }
0x1b: {  	s30 =	simm.s32 $0x0;
	[sflag:s10] =	ssyncadd.s32 $0xFFFFC180  }
0x1c: {  	[tilespmem:s13], [sflag:$0x1] =	stream.indirect.gather [hbm4b:s3+s12], $0x80, s30, s12, $0xb8;
	[tilespmem:$0x1E080] =	vst v63  }
0x1d: {  	_ =	swait.ge [sflag:s14], $0x2800  }
0x1e: {  	[sflag:s14] =	ssyncset.done $0x0  }
0x1f: {  	s31 =	simm.s32 $0x4000;
	[sflag:s14] =	ssyncadd.s32 $0xFFFFD800  }
0x20: {  	[spmem:s1] =	stream.indirect.scatter.add.f32 [tilespmem:s13], [sflag:$0x2], $0x80, s31, s12, $0xb8;
	[tilespmem:$0x1E080] =	vst v63  }
0x21: {  	_ =	swait.ge [sflag:s10], $0x2800  }
0x22: {  	s17 =	simm.s32 $0x400;
	s16 =	simm.s32 $0x200;
	[sflag:s10] =	ssyncset.done $0x0  }
.LBB2_2:
0x23: {  	s18 =	sshra.s32 s16, $0x2  }
0x24: {  	[sflag:s10] =	ssyncadd.s32 $0xFFFFD800;
	s16 =	smov.u32 s17;
	s19 =	sadd.s32 $0x200, s17  }
0x25: {  	[tilespmem:s13], [sflag:$0x1] =	stream.indirect.gather [hbm4b:s3+s12], $0x80, s18, s12, $0xb8;
	[tilespmem:$0x1E080] =	vst v63  }
0x26: {  	p1 =	sne.s32 s17, $0xF800;
	_ =	swait.ge [sflag:s14], $0x2800  }
.Ltmp0:
0x27: {  	[sflag:s14] =	ssyncset.done $0x0;
	(pc) =	sbr.rel @p1 .LBB2_2-.Ltmp0, $4  }
0x28: {  	s17 =	sadd.s32 $0x4000, s18;
	[sflag:s14] =	ssyncadd.s32 $0xFFFFD800  }
0x29: {  	[spmem:s1] =	stream.indirect.scatter.add.f32 [tilespmem:s13], [sflag:$0x2], $0x80, s17, s12, $0xb8;
	[tilespmem:$0x1E080] =	vst v63  }
0x2a: {  	_ =	swait.ge [sflag:s10], $0x2800  }
0x2b: {  	s17 =	smov.u32 s19;
	[sflag:s10] =	ssyncset.done $0x0  }
0x2c: {  	s16 =	sshra.s32 s16, $0x2;
	[sflag:s10] =	ssyncadd.s32 $0xFFFFD800  }
0x2d: {  	[tilespmem:s13], [sflag:$0x1] =	stream.indirect.gather [hbm4b:s3+s12], $0x80, s16, s12, $0xb8;
	[tilespmem:$0x1E080] =	vst v63  }
0x2e: {  	_ =	swait.ge [sflag:s14], $0x2800  }
0x2f: {  	[sflag:s14] =	ssyncset.done $0x0  }
0x30: {  	s16 =	sadd.s32 $0x4000, s16;
	[sflag:s14] =	ssyncadd.s32 $0xFFFFD800  }
0x31: {  	[spmem:s1] =	stream.indirect.scatter.add.f32 [tilespmem:s13], [sflag:$0x2], $0x80, s16, s12, $0xb8;
	[tilespmem:$0x1E080] =	vst v63  }
0x32: {  	_ =	swait.ge [sflag:s10], $0x2800  }
0x33: {  	[sflag:s10] =	ssyncset.done $0x0  }
0x34: {  	s15 =	sadd.s32 $0x1, s15;
	[sflag:s10] =	ssyncadd.s32 $0xFFFFD800  }
0x35: {  	p1 =	sne.s32 s15, s8;
	s16 =	simm.s32 @!p0 $0x1C02;
	[bflag:$0x0] =	sbarrier.arrive $0xFFFF  }
0x36: {  	[hbm:s7], [sflag:s16] =	dma.local @!p0 [spmem:s9], $0x27100  }
.Ltmp1:
0x37: {  	_ = 	snop;
	(pc) =	sbr.rel @p1 .LBB2_1-.Ltmp1, $4  }
0x38: {  	s16 =	simm.s32 @!p0 $0x2  }
0x39: {  	_ =	swait.ge @!p0 [sflag:s16], $0x27100  }
0x3a: {  	[sflag:s16] =	ssyncset.done @!p0 $0x0  }
0x3b: {  	[sflag:s16] =	ssyncadd.s32 @!p0 $0xFFFD8F00  }
0x3c: {  	_ =	sfence.sel $0x180000  }
0x3d: {  	[bflag:$0x0] =	sbarrier.arrive $0xFFFF  }
0x3e: {  	_ =	strace $0x9000004D  }
0x3f: {  	s0 =	sadd.s32 @!p0 $0x100000, s0;
	[bflag:$0x2] =	sbarrier.arrive $0xFFFF  }
0x40: {  	[sflag:s0] =	ssyncadd.tile.s32 @!p0 $0x1;
	_ =	shalt  }
.Lfunc_end2:
_tile_overlayer_lowered:
.L_overlay_start_2:
0x41: {  	(tag) =	ssettag $0x2  }
0x42: {  	s0 =	rddreg [dreg:$0x0];
	s2 =	stileid.u32  }
0x43: {  	s1 =	rddreg [dreg:$0x1];
	p0 =	sne.s32 s2, $0x0  }
0x44: {  	s3 =	rddreg [dreg:$0x2];
	[bflag:$0x3] =	sbarrier.arrive $0xFFFF;
	s2 =	simm.s32 @!p0 $0x1C02  }
0x45: {  	[timem:s3], [sflag:s2] =	dma.local @!p0 [hbm:s0], s1  }
0x46: {  	s0 =	simm.s32 @!p0 $0x2  }
0x47: {  	_ =	swait.ge @!p0 [sflag:s0], s1  }
0x48: {  	s1 =	ssub.s32 @!p0 $0x0, s1;
	[sflag:s0] =	ssyncset.done @!p0 $0x0  }
0x49: {  	[sflag:s0] =	ssyncadd.s32 @!p0 s1  }
0x4a: {  	[bflag:$0x3] =	sbarrier.arrive $0xFFFF  }
0x4b: {  	_ =	shalt  }

// kernel: kernel.20.cloned.1.call-start
scs
__scs_entry_jumppad:
0x0: {  	(pc) =	sbr.rel $0x88, $3  }
0x1: {  	(tag) =	ssettag $0x0;
	lr =	simm.s32 $0x1  }
0x2: {  	[smem:$0x3F96] =	sst lr;
	_ =	strace $0xD0000000  }
0x3: {  	_ = 	snop  }
0x4: {  	_ = 	snop  }
0x5: {  	_ = 	snop  }
0x6: {  	_ = 	snop  }
0x7: {  	_ = 	snop  }
__scs_overlays_trampoline_lowered:
0x8: {  	[smem:$0x3FA5] =	sst s0  }
0x9: {  	[smem:$0x3FA6] =	sst s1  }
0xa: {  	[smem:$0x3FA7] =	sst s2  }
0xb: {  	[smem:$0x3FA8] =	sst s3  }
0xc: {  	[smem:$0x3FA9] =	sst s4  }
0xd: {  	[smem:$0x3FAA] =	sst s5  }
0xe: {  	[smem:$0x3FAB] =	sst s6  }
0xf: {  	[smem:$0x3FAC] =	sst s7  }
0x10: {  	[smem:$0x3FAD] =	sst s8  }
0x11: {  	[smem:$0x3FAE] =	sst s9;
	s0 =	simm.s32 @!p0 $0x0  }
0x12: {  	s1 =	sld [smem:$0x3F94];
	s0 =	simm.s32 @p0 $0x1  }
0x13: {  	[smem:$0x3FAF] =	sst s0;
	s0 =	simm.s32 @!p1 $0x0  }
0x14: {  	s2 =	sld [smem:$0x3F93];
	s0 =	simm.s32 @p1 $0x1  }
0x15: {  	[smem:$0x3FB0] =	sst s0;
	s0 =	simm.s32 @!p2 $0x0  }
0x16: {  	s3 =	sld [smem:$0x3FDB];
	s0 =	simm.s32 @p2 $0x1  }
0x17: {  	s4 =	simm.s32 $0x1BF5;
	[smem:$0x3FB2] =	sst s0  }
0x18: {  	s0 =	sld [smem:$0x3F95];
	_ =	swait.ge [sflag:s4], $0x0  }
0x19: {  	s7 =	sld [smem:$0x3F96]  }
0x1a: {  	s8 =	sadd.s32 $0xFFFFE003, lr  }
0x1b: {  	s9 =	sadd.s32 $0xFFFFFEF7, lr;
	s5 =	simm.s32 $0xFFFFFFFF;
	p2 =	slt.u32 s8, $0xFFFFF086  }
0x1c: {  	p1 =	slt.u32 s9, $0xF7A;
	s5 =	simm.s32 @!p2 $0x0  }
0x1d: {  	s5 =	simm.s32 @p1 $0x1;
	p0 =	seq.s32 s7, s2  }
0x1e: {  	s7 =	smul.u32 @!p0 $0xF7A, s2;
	p2 =	seq.s32 @!p0 s5, $0x0  }
0x1f: {  	s9 =	smul.u32 $0xF7A, s1;
	s8 =	simm.s32 @!p0 $0x1BF5;
	p2 =	por !p2, p0  }
0x20: {  	[sflag:s8] =	ssyncset.s32 @!p0 $0xFFFFF086;
	s6 =	sadd.s32 @!p0 s3, s7;
	s7 =	simm.s32 @!p0 $0x108  }
0x21: {  	s3 =	sadd.s32 s3, s9;
	s6 =	sadd.s32 @!p0 $0x88, s6;
	s7 =	simm.s32 @p2 $0x1082  }
0x22: {  	[simem:s7], [sflag:s8] =	dma.local @!p0 [hbm:s6], $0xF7A  }
0x23: {  	s9 =	sor.u32 $0xD0000000, s2;
	s6 =	simm.s32 $0x108;
	_ =	swait.ge @!p0 [sflag:s8], $0x0  }
0x24: {  	s3 =	sadd.s32 $0x88, s3;
	s6 =	simm.s32 @!p1 $0x1082;
	[sflag:s4] =	ssyncset.s32 $0xFFFFF086  }
0x25: {  	[simem:s6], [sflag:s4] =	dma.local [hbm:s3], $0xF7A  }
0x26: {  	[smem:$0x3F96] =	sst s1;
	(tag) =	ssettag s2;
	_ =	strace s9  }
0x27: {  	s1 =	sld [smem:$0x3FA6]  }
0x28: {  	s2 =	sld [smem:$0x3FA7]  }
0x29: {  	s4 =	sld [smem:$0x3FA9]  }
0x2a: {  	p0 =	seq.s32 s5, $0x0;
	s5 =	sld [smem:$0x3FAA]  }
0x2b: {  	s6 =	sld [smem:$0x3FAB]  }
0x2c: {  	s7 =	sld [smem:$0x3FAC]  }
0x2d: {  	s3 =	simm.s32 $0x108;
	s8 =	sld [smem:$0x3FAD]  }
0x2e: {  	s3 =	simm.s32 @!p0 $0x1082;
	s9 =	sld [smem:$0x3FAE]  }
0x2f: {  	lr =	sadd.s32 s0, s3;
	s0 =	sld [smem:$0x3FA5]  }
0x30: {  	s3 =	sld [smem:$0x3FA8]  }
0x31: {  	[smem:$0x3FB1] =	sst s10  }
0x32: {  	s10 =	sld [smem:$0x3FAF];
	_ =	sdelay $0x3  }
0x33: {  	p0 =	seq.s32 s10, $0x1;
	s10 =	sld [smem:$0x3FB1];
	_ =	sdelay $0x3  }
0x34: {  	[smem:$0x3FB1] =	sst s10  }
0x35: {  	s10 =	sld [smem:$0x3FB0];
	_ =	sdelay $0x3  }
0x36: {  	p1 =	seq.s32 s10, $0x1;
	s10 =	sld [smem:$0x3FB1];
	_ =	sdelay $0x3  }
0x37: {  	[smem:$0x3FB1] =	sst s10  }
0x38: {  	s10 =	sld [smem:$0x3FB2]  }
0x39: {  	_ = 	snop;
	(pc) =	sbr.ind lr, $3  }
0x3a: {  	_ = 	snop  }
0x3b: {  	_ = 	snop  }
0x3c: {  	p2 =	seq.s32 s10, $0x1;
	s10 =	sld [smem:$0x3FB1]  }
0x3d: {  	_ =	shalt  }
0x3e: {  	_ =	shalt  }
0x3f: {  	_ =	shalt  }
0x40: {  	_ =	shalt  }
0x41: {  	_ =	shalt  }
0x42: {  	_ =	shalt  }
0x43: {  	_ =	shalt  }
0x44: {  	_ =	shalt  }
0x45: {  	_ =	shalt  }
0x46: {  	_ =	shalt  }
0x47: {  	_ =	shalt  }
0x48: {  	_ =	shalt  }
0x49: {  	_ =	shalt  }
0x4a: {  	_ =	shalt  }
0x4b: {  	_ =	shalt  }
0x4c: {  	_ =	shalt  }
0x4d: {  	_ =	shalt  }
0x4e: {  	_ =	shalt  }
0x4f: {  	_ =	shalt  }
0x50: {  	_ =	shalt  }
0x51: {  	_ =	shalt  }
0x52: {  	_ =	shalt  }
0x53: {  	_ =	shalt  }
0x54: {  	_ =	shalt  }
0x55: {  	_ =	shalt  }
0x56: {  	_ =	shalt  }
0x57: {  	_ =	shalt  }
0x58: {  	_ =	shalt  }
0x59: {  	_ =	shalt  }
0x5a: {  	_ =	shalt  }
0x5b: {  	_ =	shalt  }
0x5c: {  	_ =	shalt  }
0x5d: {  	_ =	shalt  }
0x5e: {  	_ =	shalt  }
0x5f: {  	_ =	shalt  }
0x60: {  	_ =	shalt  }
0x61: {  	_ =	shalt  }
0x62: {  	_ =	shalt  }
0x63: {  	_ =	shalt  }
0x64: {  	_ =	shalt  }
0x65: {  	_ =	shalt  }
0x66: {  	_ =	shalt  }
0x67: {  	_ =	shalt  }
0x68: {  	_ =	shalt  }
0x69: {  	_ =	shalt  }
0x6a: {  	_ =	shalt  }
0x6b: {  	_ =	shalt  }
0x6c: {  	_ =	shalt  }
0x6d: {  	_ =	shalt  }
0x6e: {  	_ =	shalt  }
0x6f: {  	_ =	shalt  }
0x70: {  	_ =	shalt  }
0x71: {  	_ =	shalt  }
0x72: {  	_ =	shalt  }
0x73: {  	_ =	shalt  }
0x74: {  	_ =	shalt  }
0x75: {  	_ =	shalt  }
0x76: {  	_ =	shalt  }
0x77: {  	_ =	shalt  }
0x78: {  	_ =	shalt  }
0x79: {  	_ =	shalt  }
0x7a: {  	_ =	shalt  }
0x7b: {  	_ =	shalt  }
0x7c: {  	_ =	shalt  }
0x7d: {  	_ =	shalt  }
0x7e: {  	_ =	shalt  }
0x7f: {  	_ =	shalt  }
0x80: {  	_ =	shalt  }
0x81: {  	_ =	shalt  }
0x82: {  	_ =	shalt  }
0x83: {  	_ =	shalt  }
0x84: {  	_ =	shalt  }
0x85: {  	_ =	shalt  }
0x86: {  	_ =	shalt  }
0x87: {  	_ =	shalt  }
.Lfunc_end0:
.L_simem_size_0:
called_computation.3_lowered:
.L_overlay_start_0:
0x88: {  	s2 =	sld [smem:$0x3FD9]  }
0x89: {  	s3 =	sld [smem:$0x3FFE];
	_ =	sdelay $0x1  }
0x8a: {  	s1 =	srdreg.scid  }
0x8b: {  	s0 =	sand.u32 $0x1, s1  }
0x8c: {  	s14 =	sshll.u32 s0, $0xA;
	s2 =	sadd.s32 s3, s2  }
0x8d: {  	s2 =	sadd.s32 s2, s14  }
0x8e: {  	[smem:$0x3FBD] =	sst s2  }
0x8f: {  	_ = 	snop  }
0x90: {  	s2 =	sld [smem:$0x3FD0];
	_ =	sdelay $0x2  }
0x91: {  	s15 =	simm.s32 $0xA;
	s4 =	simm.s32 $0x10  }
0x92: {  	[smem:s4], [sflag:s15] =	dma.local [hbm:s2], $0x1  }
0x93: {  	_ =	swait.eq [sflag:s15], $0x1  }
0x94: {  	[sflag:s15] =	ssyncset.done $0x0  }
0x95: {  	[sflag:s15] =	ssyncadd.s32 $0xFFFFFFFF  }
0x96: {  	s16 =	sld [smem:$0x12];
	(tm) =	ssettm $0x1  }
0x97: {  	s17 =	sld [smem:$0x3FFB];
	_ =	sdelay $0x3  }
0x98: {  	_ =	strace s17  }
0x99: {  	s3 =	sld [smem:$0x3FFC];
	_ =	sdelay $0x3  }
0x9a: {  	_ =	strace s3  }
0x9b: {  	s3 =	sld [smem:$0x3FFD];
	_ =	sdelay $0x3  }
0x9c: {  	_ =	strace s3  }
0x9d: {  	_ =	strace $0x8FFFFFFF  }
0x9e: {  	s18 =	sld [smem:$0x3FDB];
	_ =	sdelay $0x1  }
0x9f: {  	s19 =	simm.s32 $_scs_section_size  }
0xa0: {  	s5 =	simm.s32 $_size__tile_overlayer_lowered;
	s6 =	simm.s32 $_tile_overlayer_lowered  }
0xa1: {  	s22 =	simm.s32 $0x1BFF;
	s21 =	sshll.u32 s6, $0x1;
	s3 =	sadd.s32 s19, s18  }
0xa2: {  	s7 =	simm.s32 $0x0;
	s20 =	sshll.u32 s5, $0x1;
	s5 =	sadd.s32 s21, s3  }
0xa3: {  	[timem:s7], [sflag:s22] =	dma.local [hbm:s5], s20  }
0xa4: {  	_ =	swait.ge [sflag:s22], s20  }
0xa5: {  	s4 =	ssub.s32 $0x0, s20;
	[sflag:s22] =	ssyncset.done $0x0  }
0xa6: {  	[sflag:s22] =	ssyncadd.s32 s4;
	_ =	sdelay $0x1  }
0xa7: {  	s23 =	simm.s32 $0x1B8B  }
0xa8: {  	_ =	swait.ge [sflag:s23], $0x1  }
0xa9: {  	[sflag:s23] =	ssyncset.done $0x0  }
0xaa: {  	s25 =	simm.s32 $0x1B8E;
	s24 =	sld [smem:$0x3FFE];
	[sflag:s23] =	ssyncadd.s32 $0xFFFFFFFF  }
0xab: {  	s26 =	simm.s32 $execute0_lowered;
	[smem:$0x3FD2] =	sst s25  }
0xac: {  	s5 =	sshll.u32 s26, $0x1;
	_ =	strace $0x8000004F;
	[dreg:$0x1] =	wrdreg $0xFFFFFFFF  }
0xad: {  	s28 =	simm.s32 $_size_execute0_lowered;
	s3 =	sadd.s32 s3, s5;
	[dreg:$0x0] =	wrdreg $0x0  }
0xae: {  	s5 =	sshll.u32 s28, $0x1;
	[dreg:$0x2] =	wrdreg s3  }
0xaf: {  	[dreg:$0x3] =	wrdreg s5  }
0xb0: {  	[dreg:$0x4] =	wrdreg $0xC0  }
0xb1: {  	_ =	task [dreg:s7], $0x5FFFF  }
0xb2: {  	[dreg:$0x1] =	wrdreg $0xFFFFFFFF  }
0xb3: {  	[dreg:$0x0] =	wrdreg $0x60  }
0xb4: {  	[dreg:$0x2] =	wrdreg s24  }
0xb5: {  	[dreg:$0x3] =	wrdreg s16  }
0xb6: {  	[dreg:$0x4] =	wrdreg $0x9  }
0xb7: {  	_ =	task.clear_ibuf [dreg:s7], $0x5FFFF;
	_ =	strace $0x9000004F  }
0xb8: {  	s29 =	simm.s32 $0x9;
	_ =	strace $0x80000051  }
0xb9: {  	_ =	swait.ge [sflag:s29], $0x1  }
0xba: {  	[sflag:s29] =	ssyncadd.s32 $0xFFFFFFFF  }
0xbb: {  	_ =	strace $0x90000051  }
0xbc: {  	_ =	sfence  }
0xbd: {  	s30 =	sld [smem:$0x0];
	_ =	sdelay $0x2  }
0xbe: {  	s31 =	sshll.u32 s1, $0xD;
	s1 =	sshrl.u32 s1, $0x2  }
0xbf: {  	s3 =	sand.u32 $0x4000, s31;
	s1 =	sadd.s32 s1, s30  }
0xc0: {  	s0 =	sor.u32 s3, s0;
	s1 =	sshll.u32 s1, $0x11  }
0xc1: {  	s0 =	sor.u32 s1, s0  }
0xc2: {  	s0 =	sadd.s32 $0x8F2B, s0  }
0xc3: {  	[sflag:s0] =	ssyncadd.remote.s32 $0x1  }
0xc4: {  	_ =	sfence.sel $0xFFFF  }
0xc5: {  	[dreg:$0x0] =	wrdreg $0xFFFFFFFF;
	(pc) =	sbr.abs _section_cstart, $3  }
0xc6: {  	[dreg:$0x1] =	wrdreg $0xFFFFFFFF  }
0xc7: {  	_ =	task.clear_ibuf [dreg:s7], $0x2FFFF;
	_ =	strace $0x9FFFFFFF  }
0xc8: {  	(tm) =	ssettm $0x7FFFFFFF  }
0xc9: {  	_ =	shalt  }
tec
execute0_lowered:
.L_overlay_start_1:
0x0: {  	(tag) =	ssettag $0x1  }
0x1: {  	s3 =	rddreg [dreg:$0x0];
	s0 =	srdreg.scid  }
0x2: {  	s4 =	rddreg [dreg:$0x1];
	s1 =	simm.s32 $0x0;
	s11 =	simm.s32 $0x1A00  }
0x3: {  	s12 =	simm.s32 $0x2200;
	s13 =	simm.s32 $0x2A00;
	s14 =	simm.s32 $0x3200  }
0x4: {  	s15 =	simm.s32 $0x3A00;
	s16 =	simm.s32 $0x4200;
	s17 =	simm.s32 $0x4A00  }
0x5: {  	s18 =	simm.s32 $0x0;
	s5 =	sand.u32 $0x1, s0;
	s0 =	rddreg [dreg:$0x2]  }
0x6: {  	[smem:$0x7FF] =	sst s1;
	s2 =	smul.u32 $0x28000, s5;
	s7 =	ssub.s32 $0x2, s5  }
0x7: {  	_ =	strace $0x80000050;
	s5 =	sshll.u32 s5, $0xA;
	s9 =	sshrl.u32 s7, $0x1  }
0x8: {  	s6 =	sadd.s32 s2, s3;
	s2 =	stileid.u32;
	s3 =	sadd.s32 $0x52A00, s3  }
0x9: {  	s7 =	ssub.s32 s7, s9;
	s8 =	smul.u32 $0x2800, s2;
	s10 =	sshll.u32 s2, $0x6  }
0xa: {  	v2 =	vlaneseq.u32;
	s9 =	simm.s32 $0xA00;
	s5 =	sor.u32 s10, s5;
	s10 =	simm.s32 $0x1200  }
0xb: {  	vm0 =	vmmov $0xffff;
	v1 =	vshrl.u32 v2, $0x3;
	s6 =	sadd.s32 s8, s6;
	s4 =	sadd.s32 s4, s5;
	s5 =	smax.u32 s7, $0x1  }
0xc: {  	v0 =	vand.u32 $0x7, v2;
	v2 =	vor.u32 $0x8, v2;
	v1 =	vmul.u32 $0x8, v1;
	s7 =	simm.s32 $0x1;
	s8 =	simm.s32 $0x200;
	s6 =	sadd.s32 $0x2A00, s6  }
.LBB2_1:
0xd: {  	[tilespmem:s1], [sflag:$0x1] =	stream.linear.gather [hbm4b:s4+s1], $0x200, $0x38;
	[tilespmem:$0x5200] =	vst v63  }
0xe: {  	_ =	swait.ge [sflag:s7], $0x200  }
0xf: {  	[sflag:s7] =	ssyncset.done $0x0  }
0x10: {  	s19 =	simm.s32 $0x20;
	s20 =	simm.s32 $0x0;
	[sflag:s7] =	ssyncadd.s32 $0xFFFFFE00  }
.LBB2_2:
0x11: {  	s21 =	sadd.s32 s20, s6  }
0x12: {  	[tilespmem:s8], [sflag:$0x1] =	stream.linear.gather [hbm4b:s21+s1], $0x5000, $0x38;
	[tilespmem:$0x5200] =	vst v63  }
0x13: {  	_ =	swait.ge [sflag:s7], $0x5000  }
0x14: {  	[sflag:s7] =	ssyncset.done $0x0  }
0x15: {  	[sflag:s7] =	ssyncadd.s32 $0xFFFFB000  }
0x16: {  	v3 =	vld [tilespmem:s19+$0xFFFFFFE0];
	_ =	sdelay $0x4  }
0x17: {  	v4 =	vshll.u32 v3, $0x1  }
0x18: {  	v3 =	vand.u32 $0x7, v3;
	v4 =	vand.u32 $0xFFFFFFF0, v4  }
0x19: {  	v3 =	vor.u32 v3, v4  }
0x1a: {  	v4 =	vperm.xlane v3, v0;
	_ =	sdelay $0x1  }
0x1b: {  	v3 =	vperm.xlane v3, v2;
	v4 =	vadd.s32 v1, v4;
	_ =	sdelay $0x1  }
0x1c: {  	v3 =	vadd.s32 v1, v3;
	_ =	sdelay $0x2  }
0x1d: {  	[hbm4b:s3+s1] =	stream.indirect_vreg.scatter [tilespmem:s8], [sflag:$0x1], $0x80, v4, vm0, $0xb8;
	[tilespmem:$0x5200] =	vst v63  }
0x1e: {  	_ = 	snop  }
0x1f: {  	[hbm4b:s3+s1] =	stream.indirect_vreg.scatter [tilespmem:s9], [sflag:$0x1], $0x80, v3, vm0, $0xb8;
	[tilespmem:$0x5200] =	vst v63  }
0x20: {  	v3 =	vld [tilespmem:s19+$0xFFFFFFF0];
	_ =	sdelay $0x4  }
0x21: {  	v60 =	vshll.u32 v3, $0x1  }
0x22: {  	v3 =	vand.u32 $0x7, v3;
	v4 =	vand.u32 $0xFFFFFFF0, v60  }
0x23: {  	v3 =	vor.u32 v3, v4  }
0x24: {  	v4 =	vperm.xlane v3, v0;
	_ =	sdelay $0x1  }
0x25: {  	v3 =	vperm.xlane v3, v2;
	v4 =	vadd.s32 v1, v4;
	_ =	sdelay $0x1  }
0x26: {  	v3 =	vadd.s32 v1, v3;
	_ =	sdelay $0x2  }
0x27: {  	[hbm4b:s3+s1] =	stream.indirect_vreg.scatter [tilespmem:s10], [sflag:$0x1], $0x80, v4, vm0, $0xb8;
	[tilespmem:$0x5200] =	vst v63  }
0x28: {  	_ = 	snop  }
0x29: {  	[hbm4b:s3+s1] =	stream.indirect_vreg.scatter [tilespmem:s11], [sflag:$0x1], $0x80, v3, vm0, $0xb8;
	[tilespmem:$0x5200] =	vst v63  }
0x2a: {  	v3 =	vld [tilespmem:s19+$0x0];
	_ =	sdelay $0x4  }
0x2b: {  	v61 =	vshll.u32 v3, $0x1  }
0x2c: {  	v3 =	vand.u32 $0x7, v3;
	v4 =	vand.u32 $0xFFFFFFF0, v61  }
0x2d: {  	v3 =	vor.u32 v3, v4  }
0x2e: {  	v4 =	vperm.xlane v3, v0;
	_ =	sdelay $0x1  }
0x2f: {  	v3 =	vperm.xlane v3, v2;
	v4 =	vadd.s32 v1, v4;
	_ =	sdelay $0x1  }
0x30: {  	v3 =	vadd.s32 v1, v3;
	_ =	sdelay $0x2  }
0x31: {  	[hbm4b:s3+s1] =	stream.indirect_vreg.scatter [tilespmem:s12], [sflag:$0x1], $0x80, v4, vm0, $0xb8;
	[tilespmem:$0x5200] =	vst v63  }
0x32: {  	_ = 	snop  }
0x33: {  	[hbm4b:s3+s1] =	stream.indirect_vreg.scatter [tilespmem:s13], [sflag:$0x1], $0x80, v3, vm0, $0xb8;
	[tilespmem:$0x5200] =	vst v63  }
0x34: {  	v3 =	vld [tilespmem:s19+$0x10];
	_ =	sdelay $0x4  }
0x35: {  	v62 =	vshll.u32 v3, $0x1  }
0x36: {  	v3 =	vand.u32 $0x7, v3;
	v4 =	vand.u32 $0xFFFFFFF0, v62  }
0x37: {  	v3 =	vor.u32 v3, v4  }
0x38: {  	v4 =	vperm.xlane v3, v0;
	_ =	sdelay $0x1  }
0x39: {  	v3 =	vperm.xlane v3, v2;
	v4 =	vadd.s32 v1, v4;
	_ =	sdelay $0x1  }
0x3a: {  	v3 =	vadd.s32 v1, v3;
	_ =	sdelay $0x2  }
0x3b: {  	[hbm4b:s3+s1] =	stream.indirect_vreg.scatter [tilespmem:s14], [sflag:$0x1], $0x80, v4, vm0, $0xb8;
	[tilespmem:$0x5200] =	vst v63  }
0x3c: {  	_ = 	snop  }
0x3d: {  	[hbm4b:s3+s1] =	stream.indirect_vreg.scatter [tilespmem:s15], [sflag:$0x1], $0x80, v3, vm0, $0xb8;
	[tilespmem:$0x5200] =	vst v63  }
0x3e: {  	v3 =	vld [tilespmem:s19+$0x20];
	_ =	sdelay $0x4  }
0x3f: {  	v63 =	vshll.u32 v3, $0x1  }
0x40: {  	v3 =	vand.u32 $0x7, v3;
	v4 =	vand.u32 $0xFFFFFFF0, v63  }
0x41: {  	v3 =	vor.u32 v3, v4  }
0x42: {  	v4 =	vperm.xlane v3, v0;
	_ =	sdelay $0x1  }
0x43: {  	v3 =	vperm.xlane v3, v2;
	v4 =	vadd.s32 v1, v4;
	_ =	sdelay $0x1  }
0x44: {  	v3 =	vadd.s32 v1, v3;
	_ =	sdelay $0x1  }
0x45: {  	p0 =	sne.s32 s20, $0x1E00  }
0x46: {  	[hbm4b:s3+s1] =	stream.indirect_vreg.scatter [tilespmem:s16], [sflag:$0x1], $0x80, v4, vm0, $0xb8;
	[tilespmem:$0x5200] =	vst v63  }
.Ltmp0:
0x47: {  	_ = 	snop;
	(pc) =	sbr.rel @p0 .LBB2_2-.Ltmp0, $4  }
0x48: {  	[hbm4b:s3+s1] =	stream.indirect_vreg.scatter [tilespmem:s17], [sflag:$0x1], $0x80, v3, vm0, $0xb8;
	[tilespmem:$0x5200] =	vst v63  }
0x49: {  	_ =	swait.ge [sflag:s7], $0x5000  }
0x4a: {  	[sflag:s7] =	ssyncset.done $0x0  }
0x4b: {  	s20 =	sadd.s32 $0xA00, s20;
	s19 =	sadd.s32 $0x80, s19;
	[sflag:s7] =	ssyncadd.s32 $0xFFFFB000  }
0x4c: {  	s18 =	sadd.s32 $0x1, s18  }
0x4d: {  	p0 =	sne.s32 s18, s5  }
.Ltmp1:
0x4e: {  	_ = 	snop;
	(pc) =	sbr.rel @p0 .LBB2_1-.Ltmp1, $1  }
0x4f: {  	_ =	sdelay $0x3  }
0x50: {  	_ =	sfence.sel $0x180000  }
0x51: {  	[bflag:$0x0] =	sbarrier.arrive $0xFFFF  }
0x52: {  	p0 =	sne.s32 s2, $0x0;
	_ =	strace $0x90000050  }
0x53: {  	s0 =	sadd.s32 @!p0 $0x100000, s0;
	[bflag:$0x2] =	sbarrier.arrive $0xFFFF  }
0x54: {  	[sflag:s0] =	ssyncadd.tile.s32 @!p0 $0x1;
	_ =	shalt  }
.Lfunc_end2:
_tile_overlayer_lowered:
.L_overlay_start_2:
0x55: {  	(tag) =	ssettag $0x2  }
0x56: {  	s0 =	rddreg [dreg:$0x0];
	s2 =	stileid.u32  }
0x57: {  	s1 =	rddreg [dreg:$0x1];
	p0 =	sne.s32 s2, $0x0  }
0x58: {  	s3 =	rddreg [dreg:$0x2];
	[bflag:$0x3] =	sbarrier.arrive $0xFFFF;
	s2 =	simm.s32 @!p0 $0x1C01  }
0x59: {  	[timem:s3], [sflag:s2] =	dma.local @!p0 [hbm:s0], s1  }
0x5a: {  	s0 =	simm.s32 @!p0 $0x1  }
0x5b: {  	_ =	swait.ge @!p0 [sflag:s0], s1  }
0x5c: {  	s1 =	ssub.s32 @!p0 $0x0, s1;
	[sflag:s0] =	ssyncset.done @!p0 $0x0  }
0x5d: {  	[sflag:s0] =	ssyncadd.s32 @!p0 s1  }
0x5e: {  	[bflag:$0x3] =	sbarrier.arrive $0xFFFF  }
0x5f: {  	_ =	shalt  }

</sc_bundles>
